<compile_context>
chip_gen: v7x
topology: tpu7x:2x2x1
jax: 0.10.2.dev20260603
libtpu: 0.0.44.dev20260713+nightly
codegen_flags: <defaults>
</compile_context>

<pallas_src>
import functools

import jax
import jax.numpy as jnp
from jax import lax
from jax.experimental import pallas as pl
from jax.experimental.pallas import tpu as pltpu
from jax.experimental.pallas import tpu_sc as plsc

_NUM_GSPS = 360


def _sc_embedding_gather(idx, table):
    info = plsc.get_sparse_core_info()
    nc, ns = info.num_cores, info.num_subcores
    nw = nc * ns
    assert idx.shape[0] == nw

    mesh = plsc.VectorSubcoreMesh(core_axis_name="c", subcore_axis_name="s")

    @functools.partial(
        pl.kernel,
        mesh=mesh,
        out_type=jax.ShapeDtypeStruct((nw, 8, 128, 16), jnp.float32),
        scratch_types=[
            pltpu.VMEM((8, 128), jnp.int32),
            pltpu.VMEM((8, 128, 16), jnp.float32),
            pltpu.SemaphoreType.DMA,
        ],
        compiler_params=pltpu.CompilerParams(use_tc_tiling_on_sc=False),
    )
    def gather_kernel(idx_hbm, table_hbm, out_hbm, idx_v, rows_v, sem):
        wid = lax.axis_index("s") * nc + lax.axis_index("c")
        pltpu.sync_copy(idx_hbm.at[wid], idx_v)
        for j in range(8):
            for k in range(8):
                sl = pl.ds(k * 16, 16)
                idx_v[j, sl] = idx_v[j, sl] + _NUM_GSPS
        copies = [
            pltpu.async_copy(table_hbm.at[idx_v.at[j]], rows_v.at[j], sem)
            for j in range(8)
        ]
        for c in copies:
            c.wait()
        pltpu.sync_copy(rows_v, out_hbm.at[wid])

    return gather_kernel(idx, table)


def _assemble_body(y_ref, x_ref, tf_ref, az_ref, el_ref, emb_ref, o_ref):
    t, npv = 12, 1024
    yb = y_ref[0]
    xb = x_ref[0]
    eb = emb_ref[0]
    t8 = tf_ref[0]
    azv = az_ref[0]
    elv = el_ref[0]
    zpv = jnp.zeros((npv, 8), jnp.float32)
    zpv10 = jnp.zeros((npv, 10), jnp.float32)
    base = jnp.concatenate([zpv, yb, xb, zpv10, eb], axis=1)
    zt24 = jnp.zeros((t, 24), jnp.float32)
    zt16 = jnp.zeros((t, 16), jnp.float32)
    tvec = jnp.concatenate([zt24, t8, azv, elv, zt16], axis=1)
    o_ref[0] = base[None, :, :] + tvec[:, None, :]


def _tc_assemble(y, x, tf, az, el, emb, interpret=False):
    e, t, npv, ch = 32, 12, 1024, 50
    grid = (e,)
    return pl.pallas_call(
        _assemble_body,
        grid=grid,
        in_specs=[
            pl.BlockSpec((1, npv, 8), lambda i: (i, 0, 0)),
            pl.BlockSpec((1, npv, 8), lambda i: (i, 0, 0)),
            pl.BlockSpec((1, t, 8), lambda i: (i, 0, 0)),
            pl.BlockSpec((1, t, 1), lambda i: (i, 0, 0)),
            pl.BlockSpec((1, t, 1), lambda i: (i, 0, 0)),
            pl.BlockSpec((1, npv, 16), lambda i: (i, 0, 0)),
        ],
        out_specs=pl.BlockSpec((1, t, npv, ch), lambda i: (i, 0, 0, 0)),
        out_shape=jax.ShapeDtypeStruct((e, t, npv, ch), jnp.float32),
        interpret=interpret,
    )(y, x, tf, az, el, emb)


def kernel(pv_y_osgb_fourier, pv_x_osgb_fourier, pv_system_row_number, pv_x_osgb,
           pv_time_utc_fourier, solar_azimuth, solar_elevation, embedding_table):
    e, npv, feat = pv_y_osgb_fourier.shape
    et = pv_time_utc_fourier.shape[0]
    t = et // e
    del pv_x_osgb

    idx = pv_system_row_number.reshape(e, npv // 128, 128)
    emb = _sc_embedding_gather(idx, embedding_table).reshape(e, npv, 16)

    tf = pv_time_utc_fourier.reshape(e, t, feat)
    az = solar_azimuth.reshape(e, t, 1)
    el = solar_elevation.reshape(e, t, 1)
    q = _tc_assemble(pv_y_osgb_fourier, pv_x_osgb_fourier, tf, az, el, emb)
    return q.reshape(et, npv, 2 * feat + feat + feat + 2 + 16)

# --- scband reference (transcript-rebuilt; emitter-appended) ---
"""Pipeline reference for scband-pvquery-generator-22711787061520 (READ-ONLY COPY).

The authoritative reference and input builder live on the scoring server;
editing this copy changes nothing except your own understanding.
"""

import jax, jax.numpy as jnp
import numpy as np

NUM_GSPS = 360


def setup_inputs(seed: int = 0) -> dict:
    key = jax.random.key(seed)
    ks = jax.random.split(key, 8)
    example, n_pv, feat, t = 32, 1024, 8, 12
    return {
        "pv_y_osgb_fourier": jax.random.normal(ks[0], (example, n_pv, feat), jnp.float32),
        "pv_x_osgb_fourier": jax.random.normal(ks[1], (example, n_pv, feat), jnp.float32),
        "pv_system_row_number": jax.random.randint(ks[2], (example, n_pv), 0, 3736, dtype=jnp.int32),
        "pv_x_osgb": jax.random.normal(ks[3], (example, n_pv), jnp.float32),
        "pv_time_utc_fourier": jax.random.normal(ks[4], (example * t, feat), jnp.float32),
        "solar_azimuth": jax.random.uniform(ks[5], (example * t,), jnp.float32),
        "solar_elevation": jax.random.uniform(ks[6], (example * t,), jnp.float32),
        "embedding_table": jax.random.normal(ks[7], (4096, 16), jnp.float32) * 0.02,
    }


def reference(pv_y_osgb_fourier, pv_x_osgb_fourier, pv_system_row_number, pv_x_osgb,
              pv_time_utc_fourier, solar_azimuth, solar_elevation, embedding_table):
    # for_satellite_transformer=True path
    row = pv_system_row_number + NUM_GSPS
    row = jnp.nan_to_num(row.astype(jnp.float32), nan=0.0).astype(jnp.int32)
    emb = jnp.take(embedding_table, row, axis=0)  # [example, n_pv, embed_dim]
    n_pv_systems = pv_x_osgb.shape[1]
    n_repeats = pv_time_utc_fourier.shape[0] // pv_y_osgb_fourier.shape[0]
    y_f = jnp.repeat(pv_y_osgb_fourier, n_repeats, axis=0)
    x_f = jnp.repeat(pv_x_osgb_fourier, n_repeats, axis=0)
    emb = jnp.repeat(emb, n_repeats, axis=0)
    et = pv_time_utc_fourier.shape[0]
    time_f = jnp.broadcast_to(pv_time_utc_fourier[:, None, :], (et, n_pv_systems, pv_time_utc_fourier.shape[1]))
    az = jnp.broadcast_to(solar_azimuth[:, None, None], (et, n_pv_systems, 1))
    el = jnp.broadcast_to(solar_elevation[:, None, None], (et, n_pv_systems, 1))
    pv_marker = jnp.zeros_like(y_f)
    q = jnp.concatenate((pv_marker, y_f, x_f, time_f, az, el, emb), axis=2)
    return jnp.nan_to_num(q, nan=0.0)

if __name__ == "__main__":
    import jax
    _d = setup_inputs()
    print(jax.jit(kernel)(*tuple(_d.values())))

</pallas_src>

<mosaic_0001>
#map = affine_map<(d0, d1) -> (0, 0, 0)>
#map1 = affine_map<(d0, d1) -> (0, 0)>
#map2 = affine_map<(d0, d1) -> (0, 0, 0, 0)>
module attributes {stable_mosaic.version = 14 : i64} {
  func.func @gather_kernel(%arg0: i32, %arg1: i32, %arg2: memref<32x8x128xi32, #tpu.memory_space<hbm>>, %arg3: memref<4096x16xf32, #tpu.memory_space<hbm>>, %arg4: memref<32x8x128x16xf32, #tpu.memory_space<hbm>>, %arg5: memref<8x128xi32, #tpu.memory_space<vmem>>, %arg6: memref<8x128x16xf32, #tpu.memory_space<vmem>>, %arg7: memref<!tpu.dma_semaphore, #tpu.memory_space<semaphore_mem>>) attributes {dimension_semantics = [#tpu.dimension_semantics<core_parallel>, #tpu.dimension_semantics<subcore_parallel>], iteration_bounds = array<i64: 2, 16>, scalar_prefetch = 0 : i64, scratch_operands = 3 : i64, tpu.core_type = #tpu.core_type<sc_vector_subcore>, window_params = [{transform_indices = #map}, {transform_indices = #map1}, {transform_indices = #map2}]} {
    %mul3A = arith.constant 2 : i32
    %mul3A_0 = arith.muli %arg1, %mul3A : i32
    %add3A = arith.addi %mul3A_0, %arg0 : i32
    "tpu.region"() ({
      %run_scoped3A = tpu.sem_alloc : memref<!tpu.dma_semaphore, #tpu.memory_space<semaphore_mem>>
      %dma_start3A_1085 = arith.constant 0 : i32
      %dma_start3A_1086 = arith.constant 0 : i32
      %dma_start3A_1087 = tpu.memref_slice %arg2[%add3A, %dma_start3A_1085, %dma_start3A_1086] : memref<32x8x128xi32, #tpu.memory_space<hbm>> -> memref<1x8x128xi32, #tpu.memory_space<hbm>>
      %dma_start3A_1088 = tpu.memref_squeeze %dma_start3A_1087 : memref<1x8x128xi32, #tpu.memory_space<hbm>> -> memref<8x128xi32, #tpu.memory_space<hbm>>
      %dma_start3A_1089 = arith.constant 0 : i32
      %dma_start3A_1090 = arith.constant 0 : i32
      %dma_start3A_1091 = tpu.memref_slice %arg2[%add3A, %dma_start3A_1089, %dma_start3A_1090] : memref<32x8x128xi32, #tpu.memory_space<hbm>> -> memref<1x8x128xi32, #tpu.memory_space<hbm>>
      %dma_start3A_1092 = tpu.memref_squeeze %dma_start3A_1091 : memref<1x8x128xi32, #tpu.memory_space<hbm>> -> memref<8x128xi32, #tpu.memory_space<hbm>>
      tpu.enqueue_dma source(%dma_start3A_1092 : memref<8x128xi32, #tpu.memory_space<hbm>>) target(%arg5 : memref<8x128xi32, #tpu.memory_space<vmem>>) target_semaphore(%run_scoped3A : memref<!tpu.dma_semaphore, #tpu.memory_space<semaphore_mem>>)
      %dma_wait3A_1093 = arith.constant 0 : i32
      %dma_wait3A_1094 = arith.constant 0 : i32
      %dma_wait3A_1095 = tpu.memref_slice %arg2[%add3A, %dma_wait3A_1093, %dma_wait3A_1094] : memref<32x8x128xi32, #tpu.memory_space<hbm>> -> memref<1x8x128xi32, #tpu.memory_space<hbm>>
      %dma_wait3A_1096 = tpu.memref_squeeze %dma_wait3A_1095 : memref<1x8x128xi32, #tpu.memory_space<hbm>> -> memref<8x128xi32, #tpu.memory_space<hbm>>
      %dma_wait3A_1097 = arith.constant 0 : i32
      %dma_wait3A_1098 = arith.constant 0 : i32
      %dma_wait3A_1099 = tpu.memref_slice %arg2[%add3A, %dma_wait3A_1097, %dma_wait3A_1098] : memref<32x8x128xi32, #tpu.memory_space<hbm>> -> memref<1x8x128xi32, #tpu.memory_space<hbm>>
      %dma_wait3A_1100 = tpu.memref_squeeze %dma_wait3A_1099 : memref<1x8x128xi32, #tpu.memory_space<hbm>> -> memref<8x128xi32, #tpu.memory_space<hbm>>
      tpu.wait_dma2 semaphore(%run_scoped3A : memref<!tpu.dma_semaphore, #tpu.memory_space<semaphore_mem>>) src(%dma_wait3A_1100 : memref<8x128xi32, #tpu.memory_space<hbm>>) dst(%arg5 : memref<8x128xi32, #tpu.memory_space<vmem>>)
      tpu.yield
    }) : () -> ()
    %get3A = arith.constant 0 : i32
    %get3A_1 = arith.index_cast %get3A : i32 to index
    %get3A_2 = arith.constant 0 : index
    %get3A_3 = tpu.vector_load %arg5[%get3A_1, %get3A_2] {strides = array<i32>} : memref<8x128xi32, #tpu.memory_space<vmem>>, vector<1x16xi32>,
    %get3A_4 = vector.shape_cast %get3A_3 : vector<1x16xi32> to vector<16xi32>
    %add3A_5 = arith.constant 360 : i32
    %add3A_6 = vector.broadcast %add3A_5 : i32 to vector<16xi32>
    %add3A_7 = arith.addi %get3A_4, %add3A_6 : vector<16xi32>
    %swap3A = arith.constant 0 : i32
    %swap3A_8 = arith.index_cast %swap3A : i32 to index
    %swap3A_9 = arith.constant 0 : index
    %swap3A_10 = tpu.vector_load %arg5[%swap3A_8, %swap3A_9] {strides = array<i32>} : memref<8x128xi32, #tpu.memory_space<vmem>>, vector<1x16xi32>,
    %swap3A_11 = vector.shape_cast %swap3A_10 : vector<1x16xi32> to vector<16xi32>
    %swap3A_12 = vector.shape_cast %add3A_7 : vector<16xi32> to vector<1x16xi32>
    tpu.vector_store %arg5[%swap3A_8, %swap3A_9], %swap3A_12 {strides = array<i32>} : memref<8x128xi32, #tpu.memory_space<vmem>>, vector<1x16xi32>,
    %get3A_13 = arith.constant 0 : i32
    %get3A_14 = arith.index_cast %get3A_13 : i32 to index
    %get3A_15 = arith.constant 16 : index
    %get3A_16 = tpu.vector_load %arg5[%get3A_14, %get3A_15] {strides = array<i32>} : memref<8x128xi32, #tpu.memory_space<vmem>>, vector<1x16xi32>,
    %get3A_17 = vector.shape_cast %get3A_16 : vector<1x16xi32> to vector<16xi32>
    %add3A_18 = arith.constant 360 : i32
    %add3A_19 = vector.broadcast %add3A_18 : i32 to vector<16xi32>
    %add3A_20 = arith.addi %get3A_17, %add3A_19 : vector<16xi32>
    %swap3A_21 = arith.constant 0 : i32
    %swap3A_22 = arith.index_cast %swap3A_21 : i32 to index
    %swap3A_23 = arith.constant 16 : index
    %swap3A_24 = tpu.vector_load %arg5[%swap3A_22, %swap3A_23] {strides = array<i32>} : memref<8x128xi32, #tpu.memory_space<vmem>>, vector<1x16xi32>,
    %swap3A_25 = vector.shape_cast %swap3A_24 : vector<1x16xi32> to vector<16xi32>
    %swap3A_26 = vector.shape_cast %add3A_20 : vector<16xi32> to vector<1x16xi32>
    tpu.vector_store %arg5[%swap3A_22, %swap3A_23], %swap3A_26 {strides = array<i32>} : memref<8x128xi32, #tpu.memory_space<vmem>>, vector<1x16xi32>,
    %get3A_27 = arith.constant 0 : i32
    %get3A_28 = arith.index_cast %get3A_27 : i32 to index
    %get3A_29 = arith.constant 32 : index
    %get3A_30 = tpu.vector_load %arg5[%get3A_28, %get3A_29] {strides = array<i32>} : memref<8x128xi32, #tpu.memory_space<vmem>>, vector<1x16xi32>,
    %get3A_31 = vector.shape_cast %get3A_30 : vector<1x16xi32> to vector<16xi32>
    %add3A_32 = arith.constant 360 : i32
    %add3A_33 = vector.broadcast %add3A_32 : i32 to vector<16xi32>
    %add3A_34 = arith.addi %get3A_31, %add3A_33 : vector<16xi32>
    %swap3A_35 = arith.constant 0 : i32
    %swap3A_36 = arith.index_cast %swap3A_35 : i32 to index
    %swap3A_37 = arith.constant 32 : index
    %swap3A_38 = tpu.vector_load %arg5[%swap3A_36, %swap3A_37] {strides = array<i32>} : memref<8x128xi32, #tpu.memory_space<vmem>>, vector<1x16xi32>,
    %swap3A_39 = vector.shape_cast %swap3A_38 : vector<1x16xi32> to vector<16xi32>
    %swap3A_40 = vector.shape_cast %add3A_34 : vector<16xi32> to vector<1x16xi32>
    tpu.vector_store %arg5[%swap3A_36, %swap3A_37], %swap3A_40 {strides = array<i32>} : memref<8x128xi32, #tpu.memory_space<vmem>>, vector<1x16xi32>,
    %get3A_41 = arith.constant 0 : i32
    %get3A_42 = arith.index_cast %get3A_41 : i32 to index
    %get3A_43 = arith.constant 48 : index
    %get3A_44 = tpu.vector_load %arg5[%get3A_42, %get3A_43] {strides = array<i32>} : memref<8x128xi32, #tpu.memory_space<vmem>>, vector<1x16xi32>,
    %get3A_45 = vector.shape_cast %get3A_44 : vector<1x16xi32> to vector<16xi32>
    %add3A_46 = arith.constant 360 : i32
    %add3A_47 = vector.broadcast %add3A_46 : i32 to vector<16xi32>
    %add3A_48 = arith.addi %get3A_45, %add3A_47 : vector<16xi32>
    %swap3A_49 = arith.constant 0 : i32
    %swap3A_50 = arith.index_cast %swap3A_49 : i32 to index
    %swap3A_51 = arith.constant 48 : index
    %swap3A_52 = tpu.vector_load %arg5[%swap3A_50, %swap3A_51] {strides = array<i32>} : memref<8x128xi32, #tpu.memory_space<vmem>>, vector<1x16xi32>,
    %swap3A_53 = vector.shape_cast %swap3A_52 : vector<1x16xi32> to vector<16xi32>
    %swap3A_54 = vector.shape_cast %add3A_48 : vector<16xi32> to vector<1x16xi32>
    tpu.vector_store %arg5[%swap3A_50, %swap3A_51], %swap3A_54 {strides = array<i32>} : memref<8x128xi32, #tpu.memory_space<vmem>>, vector<1x16xi32>,
    %get3A_55 = arith.constant 0 : i32
    %get3A_56 = arith.index_cast %get3A_55 : i32 to index
    %get3A_57 = arith.constant 64 : index
    %get3A_58 = tpu.vector_load %arg5[%get3A_56, %get3A_57] {strides = array<i32>} : memref<8x128xi32, #tpu.memory_space<vmem>>, vector<1x16xi32>,
    %get3A_59 = vector.shape_cast %get3A_58 : vector<1x16xi32> to vector<16xi32>
    %add3A_60 = arith.constant 360 : i32
    %add3A_61 = vector.broadcast %add3A_60 : i32 to vector<16xi32>
    %add3A_62 = arith.addi %get3A_59, %add3A_61 : vector<16xi32>
    %swap3A_63 = arith.constant 0 : i32
    %swap3A_64 = arith.index_cast %swap3A_63 : i32 to index
    %swap3A_65 = arith.constant 64 : index
    %swap3A_66 = tpu.vector_load %arg5[%swap3A_64, %swap3A_65] {strides = array<i32>} : memref<8x128xi32, #tpu.memory_space<vmem>>, vector<1x16xi32>,
    %swap3A_67 = vector.shape_cast %swap3A_66 : vector<1x16xi32> to vector<16xi32>
    %swap3A_68 = vector.shape_cast %add3A_62 : vector<16xi32> to vector<1x16xi32>
    tpu.vector_store %arg5[%swap3A_64, %swap3A_65], %swap3A_68 {strides = array<i32>} : memref<8x128xi32, #tpu.memory_space<vmem>>, vector<1x16xi32>,
    %get3A_69 = arith.constant 0 : i32
    %get3A_70 = arith.index_cast %get3A_69 : i32 to index
    %get3A_71 = arith.constant 80 : index
    %get3A_72 = tpu.vector_load %arg5[%get3A_70, %get3A_71] {strides = array<i32>} : memref<8x128xi32, #tpu.memory_space<vmem>>, vector<1x16xi32>,
    %get3A_73 = vector.shape_cast %get3A_72 : vector<1x16xi32> to vector<16xi32>
    %add3A_74 = arith.constant 360 : i32
    %add3A_75 = vector.broadcast %add3A_74 : i32 to vector<16xi32>
    %add3A_76 = arith.addi %get3A_73, %add3A_75 : vector<16xi32>
    %swap3A_77 = arith.constant 0 : i32
    %swap3A_78 = arith.index_cast %swap3A_77 : i32 to index
    %swap3A_79 = arith.constant 80 : index
    %swap3A_80 = tpu.vector_load %arg5[%swap3A_78, %swap3A_79] {strides = array<i32>} : memref<8x128xi32, #tpu.memory_space<vmem>>, vector<1x16xi32>,
    %swap3A_81 = vector.shape_cast %swap3A_80 : vector<1x16xi32> to vector<16xi32>
    %swap3A_82 = vector.shape_cast %add3A_76 : vector<16xi32> to vector<1x16xi32>
    tpu.vector_store %arg5[%swap3A_78, %swap3A_79], %swap3A_82 {strides = array<i32>} : memref<8x128xi32, #tpu.memory_space<vmem>>, vector<1x16xi32>,
    %get3A_83 = arith.constant 0 : i32
    %get3A_84 = arith.index_cast %get3A_83 : i32 to index
    %get3A_85 = arith.constant 96 : index
    %get3A_86 = tpu.vector_load %arg5[%get3A_84, %get3A_85] {strides = array<i32>} : memref<8x128xi32, #tpu.memory_space<vmem>>, vector<1x16xi32>,
    %get3A_87 = vector.shape_cast %get3A_86 : vector<1x16xi32> to vector<16xi32>
    %add3A_88 = arith.constant 360 : i32
    %add3A_89 = vector.broadcast %add3A_88 : i32 to vector<16xi32>
    %add3A_90 = arith.addi %get3A_87, %add3A_89 : vector<16xi32>
    %swap3A_91 = arith.constant 0 : i32
    %swap3A_92 = arith.index_cast %swap3A_91 : i32 to index
    %swap3A_93 = arith.constant 96 : index
    %swap3A_94 = tpu.vector_load %arg5[%swap3A_92, %swap3A_93] {strides = array<i32>} : memref<8x128xi32, #tpu.memory_space<vmem>>, vector<1x16xi32>,
    %swap3A_95 = vector.shape_cast %swap3A_94 : vector<1x16xi32> to vector<16xi32>
    %swap3A_96 = vector.shape_cast %add3A_90 : vector<16xi32> to vector<1x16xi32>
    tpu.vector_store %arg5[%swap3A_92, %swap3A_93], %swap3A_96 {strides = array<i32>} : memref<8x128xi32, #tpu.memory_space<vmem>>, vector<1x16xi32>,
    %get3A_97 = arith.constant 0 : i32
    %get3A_98 = arith.index_cast %get3A_97 : i32 to index
    %get3A_99 = arith.constant 112 : index
    %get3A_100 = tpu.vector_load %arg5[%get3A_98, %get3A_99] {strides = array<i32>} : memref<8x128xi32, #tpu.memory_space<vmem>>, vector<1x16xi32>,
    %get3A_101 = vector.shape_cast %get3A_100 : vector<1x16xi32> to vector<16xi32>
    %add3A_102 = arith.constant 360 : i32
    %add3A_103 = vector.broadcast %add3A_102 : i32 to vector<16xi32>
    %add3A_104 = arith.addi %get3A_101, %add3A_103 : vector<16xi32>
    %swap3A_105 = arith.constant 0 : i32
    %swap3A_106 = arith.index_cast %swap3A_105 : i32 to index
    %swap3A_107 = arith.constant 112 : index
    %swap3A_108 = tpu.vector_load %arg5[%swap3A_106, %swap3A_107] {strides = array<i32>} : memref<8x128xi32, #tpu.memory_space<vmem>>, vector<1x16xi32>,
    %swap3A_109 = vector.shape_cast %swap3A_108 : vector<1x16xi32> to vector<16xi32>
    %swap3A_110 = vector.shape_cast %add3A_104 : vector<16xi32> to vector<1x16xi32>
    tpu.vector_store %arg5[%swap3A_106, %swap3A_107], %swap3A_110 {strides = array<i32>} : memref<8x128xi32, #tpu.memory_space<vmem>>, vector<1x16xi32>,
    %get3A_111 = arith.constant 1 : i32
    %get3A_112 = arith.index_cast %get3A_111 : i32 to index
    %get3A_113 = arith.constant 0 : index
    %get3A_114 = tpu.vector_load %arg5[%get3A_112, %get3A_113] {strides = array<i32>} : memref<8x128xi32, #tpu.memory_space<vmem>>, vector<1x16xi32>,
    %get3A_115 = vector.shape_cast %get3A_114 : vector<1x16xi32> to vector<16xi32>
    %add3A_116 = arith.constant 360 : i32
    %add3A_117 = vector.broadcast %add3A_116 : i32 to vector<16xi32>
    %add3A_118 = arith.addi %get3A_115, %add3A_117 : vector<16xi32>
    %swap3A_119 = arith.constant 1 : i32
    %swap3A_120 = arith.index_cast %swap3A_119 : i32 to index
    %swap3A_121 = arith.constant 0 : index
    %swap3A_122 = tpu.vector_load %arg5[%swap3A_120, %swap3A_121] {strides = array<i32>} : memref<8x128xi32, #tpu.memory_space<vmem>>, vector<1x16xi32>,
    %swap3A_123 = vector.shape_cast %swap3A_122 : vector<1x16xi32> to vector<16xi32>
    %swap3A_124 = vector.shape_cast %add3A_118 : vector<16xi32> to vector<1x16xi32>
    tpu.vector_store %arg5[%swap3A_120, %swap3A_121], %swap3A_124 {strides = array<i32>} : memref<8x128xi32, #tpu.memory_space<vmem>>, vector<1x16xi32>,
    %get3A_125 = arith.constant 1 : i32
    %get3A_126 = arith.index_cast %get3A_125 : i32 to index
    %get3A_127 = arith.constant 16 : index
    %get3A_128 = tpu.vector_load %arg5[%get3A_126, %get3A_127] {strides = array<i32>} : memref<8x128xi32, #tpu.memory_space<vmem>>, vector<1x16xi32>,
    %get3A_129 = vector.shape_cast %get3A_128 : vector<1x16xi32> to vector<16xi32>
    %add3A_130 = arith.constant 360 : i32
    %add3A_131 = vector.broadcast %add3A_130 : i32 to vector<16xi32>
    %add3A_132 = arith.addi %get3A_129, %add3A_131 : vector<16xi32>
    %swap3A_133 = arith.constant 1 : i32
    %swap3A_134 = arith.index_cast %swap3A_133 : i32 to index
    %swap3A_135 = arith.constant 16 : index
    %swap3A_136 = tpu.vector_load %arg5[%swap3A_134, %swap3A_135] {strides = array<i32>} : memref<8x128xi32, #tpu.memory_space<vmem>>, vector<1x16xi32>,
    %swap3A_137 = vector.shape_cast %swap3A_136 : vector<1x16xi32> to vector<16xi32>
    %swap3A_138 = vector.shape_cast %add3A_132 : vector<16xi32> to vector<1x16xi32>
    tpu.vector_store %arg5[%swap3A_134, %swap3A_135], %swap3A_138 {strides = array<i32>} : memref<8x128xi32, #tpu.memory_space<vmem>>, vector<1x16xi32>,
    %get3A_139 = arith.constant 1 : i32
    %get3A_140 = arith.index_cast %get3A_139 : i32 to index
    %get3A_141 = arith.constant 32 : index
    %get3A_142 = tpu.vector_load %arg5[%get3A_140, %get3A_141] {strides = array<i32>} : memref<8x128xi32, #tpu.memory_space<vmem>>, vector<1x16xi32>,
    %get3A_143 = vector.shape_cast %get3A_142 : vector<1x16xi32> to vector<16xi32>
    %add3A_144 = arith.constant 360 : i32
    %add3A_145 = vector.broadcast %add3A_144 : i32 to vector<16xi32>
    %add3A_146 = arith.addi %get3A_143, %add3A_145 : vector<16xi32>
    %swap3A_147 = arith.constant 1 : i32
    %swap3A_148 = arith.index_cast %swap3A_147 : i32 to index
    %swap3A_149 = arith.constant 32 : index
    %swap3A_150 = tpu.vector_load %arg5[%swap3A_148, %swap3A_149] {strides = array<i32>} : memref<8x128xi32, #tpu.memory_space<vmem>>, vector<1x16xi32>,
    %swap3A_151 = vector.shape_cast %swap3A_150 : vector<1x16xi32> to vector<16xi32>
    %swap3A_152 = vector.shape_cast %add3A_146 : vector<16xi32> to vector<1x16xi32>
    tpu.vector_store %arg5[%swap3A_148, %swap3A_149], %swap3A_152 {strides = array<i32>} : memref<8x128xi32, #tpu.memory_space<vmem>>, vector<1x16xi32>,
    %get3A_153 = arith.constant 1 : i32
    %get3A_154 = arith.index_cast %get3A_153 : i32 to index
    %get3A_155 = arith.constant 48 : index
    %get3A_156 = tpu.vector_load %arg5[%get3A_154, %get3A_155] {strides = array<i32>} : memref<8x128xi32, #tpu.memory_space<vmem>>, vector<1x16xi32>,
    %get3A_157 = vector.shape_cast %get3A_156 : vector<1x16xi32> to vector<16xi32>
    %add3A_158 = arith.constant 360 : i32
    %add3A_159 = vector.broadcast %add3A_158 : i32 to vector<16xi32>
    %add3A_160 = arith.addi %get3A_157, %add3A_159 : vector<16xi32>
    %swap3A_161 = arith.constant 1 : i32
    %swap3A_162 = arith.index_cast %swap3A_161 : i32 to index
    %swap3A_163 = arith.constant 48 : index
    %swap3A_164 = tpu.vector_load %arg5[%swap3A_162, %swap3A_163] {strides = array<i32>} : memref<8x128xi32, #tpu.memory_space<vmem>>, vector<1x16xi32>,
    %swap3A_165 = vector.shape_cast %swap3A_164 : vector<1x16xi32> to vector<16xi32>
    %swap3A_166 = vector.shape_cast %add3A_160 : vector<16xi32> to vector<1x16xi32>
    tpu.vector_store %arg5[%swap3A_162, %swap3A_163], %swap3A_166 {strides = array<i32>} : memref<8x128xi32, #tpu.memory_space<vmem>>, vector<1x16xi32>,
    %get3A_167 = arith.constant 1 : i32
    %get3A_168 = arith.index_cast %get3A_167 : i32 to index
    %get3A_169 = arith.constant 64 : index
    %get3A_170 = tpu.vector_load %arg5[%get3A_168, %get3A_169] {strides = array<i32>} : memref<8x128xi32, #tpu.memory_space<vmem>>, vector<1x16xi32>,
    %get3A_171 = vector.shape_cast %get3A_170 : vector<1x16xi32> to vector<16xi32>
    %add3A_172 = arith.constant 360 : i32
    %add3A_173 = vector.broadcast %add3A_172 : i32 to vector<16xi32>
    %add3A_174 = arith.addi %get3A_171, %add3A_173 : vector<16xi32>
    %swap3A_175 = arith.constant 1 : i32
    %swap3A_176 = arith.index_cast %swap3A_175 : i32 to index
    %swap3A_177 = arith.constant 64 : index
    %swap3A_178 = tpu.vector_load %arg5[%swap3A_176, %swap3A_177] {strides = array<i32>} : memref<8x128xi32, #tpu.memory_space<vmem>>, vector<1x16xi32>,
    %swap3A_179 = vector.shape_cast %swap3A_178 : vector<1x16xi32> to vector<16xi32>
    %swap3A_180 = vector.shape_cast %add3A_174 : vector<16xi32> to vector<1x16xi32>
    tpu.vector_store %arg5[%swap3A_176, %swap3A_177], %swap3A_180 {strides = array<i32>} : memref<8x128xi32, #tpu.memory_space<vmem>>, vector<1x16xi32>,
    %get3A_181 = arith.constant 1 : i32
    %get3A_182 = arith.index_cast %get3A_181 : i32 to index
    %get3A_183 = arith.constant 80 : index
    %get3A_184 = tpu.vector_load %arg5[%get3A_182, %get3A_183] {strides = array<i32>} : memref<8x128xi32, #tpu.memory_space<vmem>>, vector<1x16xi32>,
    %get3A_185 = vector.shape_cast %get3A_184 : vector<1x16xi32> to vector<16xi32>
    %add3A_186 = arith.constant 360 : i32
    %add3A_187 = vector.broadcast %add3A_186 : i32 to vector<16xi32>
    %add3A_188 = arith.addi %get3A_185, %add3A_187 : vector<16xi32>
    %swap3A_189 = arith.constant 1 : i32
    %swap3A_190 = arith.index_cast %swap3A_189 : i32 to index
    %swap3A_191 = arith.constant 80 : index
    %swap3A_192 = tpu.vector_load %arg5[%swap3A_190, %swap3A_191] {strides = array<i32>} : memref<8x128xi32, #tpu.memory_space<vmem>>, vector<1x16xi32>,
    %swap3A_193 = vector.shape_cast %swap3A_192 : vector<1x16xi32> to vector<16xi32>
    %swap3A_194 = vector.shape_cast %add3A_188 : vector<16xi32> to vector<1x16xi32>
    tpu.vector_store %arg5[%swap3A_190, %swap3A_191], %swap3A_194 {strides = array<i32>} : memref<8x128xi32, #tpu.memory_space<vmem>>, vector<1x16xi32>,
    %get3A_195 = arith.constant 1 : i32
    %get3A_196 = arith.index_cast %get3A_195 : i32 to index
    %get3A_197 = arith.constant 96 : index
    %get3A_198 = tpu.vector_load %arg5[%get3A_196, %get3A_197] {strides = array<i32>} : memref<8x128xi32, #tpu.memory_space<vmem>>, vector<1x16xi32>,
    %get3A_199 = vector.shape_cast %get3A_198 : vector<1x16xi32> to vector<16xi32>
    %add3A_200 = arith.constant 360 : i32
    %add3A_201 = vector.broadcast %add3A_200 : i32 to vector<16xi32>
    %add3A_202 = arith.addi %get3A_199, %add3A_201 : vector<16xi32>
    %swap3A_203 = arith.constant 1 : i32
    %swap3A_204 = arith.index_cast %swap3A_203 : i32 to index
    %swap3A_205 = arith.constant 96 : index
    %swap3A_206 = tpu.vector_load %arg5[%swap3A_204, %swap3A_205] {strides = array<i32>} : memref<8x128xi32, #tpu.memory_space<vmem>>, vector<1x16xi32>,
    %swap3A_207 = vector.shape_cast %swap3A_206 : vector<1x16xi32> to vector<16xi32>
    %swap3A_208 = vector.shape_cast %add3A_202 : vector<16xi32> to vector<1x16xi32>
    tpu.vector_store %arg5[%swap3A_204, %swap3A_205], %swap3A_208 {strides = array<i32>} : memref<8x128xi32, #tpu.memory_space<vmem>>, vector<1x16xi32>,
    %get3A_209 = arith.constant 1 : i32
    %get3A_210 = arith.index_cast %get3A_209 : i32 to index
    %get3A_211 = arith.constant 112 : index
    %get3A_212 = tpu.vector_load %arg5[%get3A_210, %get3A_211] {strides = array<i32>} : memref<8x128xi32, #tpu.memory_space<vmem>>, vector<1x16xi32>,
    %get3A_213 = vector.shape_cast %get3A_212 : vector<1x16xi32> to vector<16xi32>
    %add3A_214 = arith.constant 360 : i32
    %add3A_215 = vector.broadcast %add3A_214 : i32 to vector<16xi32>
    %add3A_216 = arith.addi %get3A_213, %add3A_215 : vector<16xi32>
    %swap3A_217 = arith.constant 1 : i32
    %swap3A_218 = arith.index_cast %swap3A_217 : i32 to index
    %swap3A_219 = arith.constant 112 : index
    %swap3A_220 = tpu.vector_load %arg5[%swap3A_218, %swap3A_219] {strides = array<i32>} : memref<8x128xi32, #tpu.memory_space<vmem>>, vector<1x16xi32>,
    %swap3A_221 = vector.shape_cast %swap3A_220 : vector<1x16xi32> to vector<16xi32>
    %swap3A_222 = vector.shape_cast %add3A_216 : vector<16xi32> to vector<1x16xi32>
    tpu.vector_store %arg5[%swap3A_218, %swap3A_219], %swap3A_222 {strides = array<i32>} : memref<8x128xi32, #tpu.memory_space<vmem>>, vector<1x16xi32>,
    %get3A_223 = arith.constant 2 : i32
    %get3A_224 = arith.index_cast %get3A_223 : i32 to index
    %get3A_225 = arith.constant 0 : index
    %get3A_226 = tpu.vector_load %arg5[%get3A_224, %get3A_225] {strides = array<i32>} : memref<8x128xi32, #tpu.memory_space<vmem>>, vector<1x16xi32>,
    %get3A_227 = vector.shape_cast %get3A_226 : vector<1x16xi32> to vector<16xi32>
    %add3A_228 = arith.constant 360 : i32
    %add3A_229 = vector.broadcast %add3A_228 : i32 to vector<16xi32>
    %add3A_230 = arith.addi %get3A_227, %add3A_229 : vector<16xi32>
    %swap3A_231 = arith.constant 2 : i32
    %swap3A_232 = arith.index_cast %swap3A_231 : i32 to index
    %swap3A_233 = arith.constant 0 : index
    %swap3A_234 = tpu.vector_load %arg5[%swap3A_232, %swap3A_233] {strides = array<i32>} : memref<8x128xi32, #tpu.memory_space<vmem>>, vector<1x16xi32>,
    %swap3A_235 = vector.shape_cast %swap3A_234 : vector<1x16xi32> to vector<16xi32>
    %swap3A_236 = vector.shape_cast %add3A_230 : vector<16xi32> to vector<1x16xi32>
    tpu.vector_store %arg5[%swap3A_232, %swap3A_233], %swap3A_236 {strides = array<i32>} : memref<8x128xi32, #tpu.memory_space<vmem>>, vector<1x16xi32>,
    %get3A_237 = arith.constant 2 : i32
    %get3A_238 = arith.index_cast %get3A_237 : i32 to index
    %get3A_239 = arith.constant 16 : index
    %get3A_240 = tpu.vector_load %arg5[%get3A_238, %get3A_239] {strides = array<i32>} : memref<8x128xi32, #tpu.memory_space<vmem>>, vector<1x16xi32>,
    %get3A_241 = vector.shape_cast %get3A_240 : vector<1x16xi32> to vector<16xi32>
    %add3A_242 = arith.constant 360 : i32
    %add3A_243 = vector.broadcast %add3A_242 : i32 to vector<16xi32>
    %add3A_244 = arith.addi %get3A_241, %add3A_243 : vector<16xi32>
    %swap3A_245 = arith.constant 2 : i32
    %swap3A_246 = arith.index_cast %swap3A_245 : i32 to index
    %swap3A_247 = arith.constant 16 : index
    %swap3A_248 = tpu.vector_load %arg5[%swap3A_246, %swap3A_247] {strides = array<i32>} : memref<8x128xi32, #tpu.memory_space<vmem>>, vector<1x16xi32>,
    %swap3A_249 = vector.shape_cast %swap3A_248 : vector<1x16xi32> to vector<16xi32>
    %swap3A_250 = vector.shape_cast %add3A_244 : vector<16xi32> to vector<1x16xi32>
    tpu.vector_store %arg5[%swap3A_246, %swap3A_247], %swap3A_250 {strides = array<i32>} : memref<8x128xi32, #tpu.memory_space<vmem>>, vector<1x16xi32>,
    %get3A_251 = arith.constant 2 : i32
    %get3A_252 = arith.index_cast %get3A_251 : i32 to index
    %get3A_253 = arith.constant 32 : index
    %get3A_254 = tpu.vector_load %arg5[%get3A_252, %get3A_253] {strides = array<i32>} : memref<8x128xi32, #tpu.memory_space<vmem>>, vector<1x16xi32>,
    %get3A_255 = vector.shape_cast %get3A_254 : vector<1x16xi32> to vector<16xi32>
    %add3A_256 = arith.constant 360 : i32
    %add3A_257 = vector.broadcast %add3A_256 : i32 to vector<16xi32>
    %add3A_258 = arith.addi %get3A_255, %add3A_257 : vector<16xi32>
    %swap3A_259 = arith.constant 2 : i32
    %swap3A_260 = arith.index_cast %swap3A_259 : i32 to index
    %swap3A_261 = arith.constant 32 : index
    %swap3A_262 = tpu.vector_load %arg5[%swap3A_260, %swap3A_261] {strides = array<i32>} : memref<8x128xi32, #tpu.memory_space<vmem>>, vector<1x16xi32>,
    %swap3A_263 = vector.shape_cast %swap3A_262 : vector<1x16xi32> to vector<16xi32>
    %swap3A_264 = vector.shape_cast %add3A_258 : vector<16xi32> to vector<1x16xi32>
    tpu.vector_store %arg5[%swap3A_260, %swap3A_261], %swap3A_264 {strides = array<i32>} : memref<8x128xi32, #tpu.memory_space<vmem>>, vector<1x16xi32>,
    %get3A_265 = arith.constant 2 : i32
    %get3A_266 = arith.index_cast %get3A_265 : i32 to index
    %get3A_267 = arith.constant 48 : index
    %get3A_268 = tpu.vector_load %arg5[%get3A_266, %get3A_267] {strides = array<i32>} : memref<8x128xi32, #tpu.memory_space<vmem>>, vector<1x16xi32>,
    %get3A_269 = vector.shape_cast %get3A_268 : vector<1x16xi32> to vector<16xi32>
    %add3A_270 = arith.constant 360 : i32
    %add3A_271 = vector.broadcast %add3A_270 : i32 to vector<16xi32>
    %add3A_272 = arith.addi %get3A_269, %add3A_271 : vector<16xi32>
    %swap3A_273 = arith.constant 2 : i32
    %swap3A_274 = arith.index_cast %swap3A_273 : i32 to index
    %swap3A_275 = arith.constant 48 : index
    %swap3A_276 = tpu.vector_load %arg5[%swap3A_274, %swap3A_275] {strides = array<i32>} : memref<8x128xi32, #tpu.memory_space<vmem>>, vector<1x16xi32>,
    %swap3A_277 = vector.shape_cast %swap3A_276 : vector<1x16xi32> to vector<16xi32>
    %swap3A_278 = vector.shape_cast %add3A_272 : vector<16xi32> to vector<1x16xi32>
    tpu.vector_store %arg5[%swap3A_274, %swap3A_275], %swap3A_278 {strides = array<i32>} : memref<8x128xi32, #tpu.memory_space<vmem>>, vector<1x16xi32>,
    %get3A_279 = arith.constant 2 : i32
    %get3A_280 = arith.index_cast %get3A_279 : i32 to index
    %get3A_281 = arith.constant 64 : index
    %get3A_282 = tpu.vector_load %arg5[%get3A_280, %get3A_281] {strides = array<i32>} : memref<8x128xi32, #tpu.memory_space<vmem>>, vector<1x16xi32>,
    %get3A_283 = vector.shape_cast %get3A_282 : vector<1x16xi32> to vector<16xi32>
    %add3A_284 = arith.constant 360 : i32
    %add3A_285 = vector.broadcast %add3A_284 : i32 to vector<16xi32>
    %add3A_286 = arith.addi %get3A_283, %add3A_285 : vector<16xi32>
    %swap3A_287 = arith.constant 2 : i32
    %swap3A_288 = arith.index_cast %swap3A_287 : i32 to index
    %swap3A_289 = arith.constant 64 : index
    %swap3A_290 = tpu.vector_load %arg5[%swap3A_288, %swap3A_289] {strides = array<i32>} : memref<8x128xi32, #tpu.memory_space<vmem>>, vector<1x16xi32>,
    %swap3A_291 = vector.shape_cast %swap3A_290 : vector<1x16xi32> to vector<16xi32>
    %swap3A_292 = vector.shape_cast %add3A_286 : vector<16xi32> to vector<1x16xi32>
    tpu.vector_store %arg5[%swap3A_288, %swap3A_289], %swap3A_292 {strides = array<i32>} : memref<8x128xi32, #tpu.memory_space<vmem>>, vector<1x16xi32>,
    %get3A_293 = arith.constant 2 : i32
    %get3A_294 = arith.index_cast %get3A_293 : i32 to index
    %get3A_295 = arith.constant 80 : index
    %get3A_296 = tpu.vector_load %arg5[%get3A_294, %get3A_295] {strides = array<i32>} : memref<8x128xi32, #tpu.memory_space<vmem>>, vector<1x16xi32>,
    %get3A_297 = vector.shape_cast %get3A_296 : vector<1x16xi32> to vector<16xi32>
    %add3A_298 = arith.constant 360 : i32
    %add3A_299 = vector.broadcast %add3A_298 : i32 to vector<16xi32>
    %add3A_300 = arith.addi %get3A_297, %add3A_299 : vector<16xi32>
    %swap3A_301 = arith.constant 2 : i32
    %swap3A_302 = arith.index_cast %swap3A_301 : i32 to index
    %swap3A_303 = arith.constant 80 : index
    %swap3A_304 = tpu.vector_load %arg5[%swap3A_302, %swap3A_303] {strides = array<i32>} : memref<8x128xi32, #tpu.memory_space<vmem>>, vector<1x16xi32>,
    %swap3A_305 = vector.shape_cast %swap3A_304 : vector<1x16xi32> to vector<16xi32>
    %swap3A_306 = vector.shape_cast %add3A_300 : vector<16xi32> to vector<1x16xi32>
    tpu.vector_store %arg5[%swap3A_302, %swap3A_303], %swap3A_306 {strides = array<i32>} : memref<8x128xi32, #tpu.memory_space<vmem>>, vector<1x16xi32>,
    %get3A_307 = arith.constant 2 : i32
    %get3A_308 = arith.index_cast %get3A_307 : i32 to index
    %get3A_309 = arith.constant 96 : index
    %get3A_310 = tpu.vector_load %arg5[%get3A_308, %get3A_309] {strides = array<i32>} : memref<8x128xi32, #tpu.memory_space<vmem>>, vector<1x16xi32>,
    %get3A_311 = vector.shape_cast %get3A_310 : vector<1x16xi32> to vector<16xi32>
    %add3A_312 = arith.constant 360 : i32
    %add3A_313 = vector.broadcast %add3A_312 : i32 to vector<16xi32>
    %add3A_314 = arith.addi %get3A_311, %add3A_313 : vector<16xi32>
    %swap3A_315 = arith.constant 2 : i32
    %swap3A_316 = arith.index_cast %swap3A_315 : i32 to index
    %swap3A_317 = arith.constant 96 : index
    %swap3A_318 = tpu.vector_load %arg5[%swap3A_316, %swap3A_317] {strides = array<i32>} : memref<8x128xi32, #tpu.memory_space<vmem>>, vector<1x16xi32>,
    %swap3A_319 = vector.shape_cast %swap3A_318 : vector<1x16xi32> to vector<16xi32>
    %swap3A_320 = vector.shape_cast %add3A_314 : vector<16xi32> to vector<1x16xi32>
    tpu.vector_store %arg5[%swap3A_316, %swap3A_317], %swap3A_320 {strides = array<i32>} : memref<8x128xi32, #tpu.memory_space<vmem>>, vector<1x16xi32>,
    %get3A_321 = arith.constant 2 : i32
    %get3A_322 = arith.index_cast %get3A_321 : i32 to index
    %get3A_323 = arith.constant 112 : index
    %get3A_324 = tpu.vector_load %arg5[%get3A_322, %get3A_323] {strides = array<i32>} : memref<8x128xi32, #tpu.memory_space<vmem>>, vector<1x16xi32>,
    %get3A_325 = vector.shape_cast %get3A_324 : vector<1x16xi32> to vector<16xi32>
    %add3A_326 = arith.constant 360 : i32
    %add3A_327 = vector.broadcast %add3A_326 : i32 to vector<16xi32>
    %add3A_328 = arith.addi %get3A_325, %add3A_327 : vector<16xi32>
    %swap3A_329 = arith.constant 2 : i32
    %swap3A_330 = arith.index_cast %swap3A_329 : i32 to index
    %swap3A_331 = arith.constant 112 : index
    %swap3A_332 = tpu.vector_load %arg5[%swap3A_330, %swap3A_331] {strides = array<i32>} : memref<8x128xi32, #tpu.memory_space<vmem>>, vector<1x16xi32>,
    %swap3A_333 = vector.shape_cast %swap3A_332 : vector<1x16xi32> to vector<16xi32>
    %swap3A_334 = vector.shape_cast %add3A_328 : vector<16xi32> to vector<1x16xi32>
    tpu.vector_store %arg5[%swap3A_330, %swap3A_331], %swap3A_334 {strides = array<i32>} : memref<8x128xi32, #tpu.memory_space<vmem>>, vector<1x16xi32>,
    %get3A_335 = arith.constant 3 : i32
    %get3A_336 = arith.index_cast %get3A_335 : i32 to index
    %get3A_337 = arith.constant 0 : index
    %get3A_338 = tpu.vector_load %arg5[%get3A_336, %get3A_337] {strides = array<i32>} : memref<8x128xi32, #tpu.memory_space<vmem>>, vector<1x16xi32>,
    %get3A_339 = vector.shape_cast %get3A_338 : vector<1x16xi32> to vector<16xi32>
    %add3A_340 = arith.constant 360 : i32
    %add3A_341 = vector.broadcast %add3A_340 : i32 to vector<16xi32>
    %add3A_342 = arith.addi %get3A_339, %add3A_341 : vector<16xi32>
    %swap3A_343 = arith.constant 3 : i32
    %swap3A_344 = arith.index_cast %swap3A_343 : i32 to index
    %swap3A_345 = arith.constant 0 : index
    %swap3A_346 = tpu.vector_load %arg5[%swap3A_344, %swap3A_345] {strides = array<i32>} : memref<8x128xi32, #tpu.memory_space<vmem>>, vector<1x16xi32>,
    %swap3A_347 = vector.shape_cast %swap3A_346 : vector<1x16xi32> to vector<16xi32>
    %swap3A_348 = vector.shape_cast %add3A_342 : vector<16xi32> to vector<1x16xi32>
    tpu.vector_store %arg5[%swap3A_344, %swap3A_345], %swap3A_348 {strides = array<i32>} : memref<8x128xi32, #tpu.memory_space<vmem>>, vector<1x16xi32>,
    %get3A_349 = arith.constant 3 : i32
    %get3A_350 = arith.index_cast %get3A_349 : i32 to index
    %get3A_351 = arith.constant 16 : index
    %get3A_352 = tpu.vector_load %arg5[%get3A_350, %get3A_351] {strides = array<i32>} : memref<8x128xi32, #tpu.memory_space<vmem>>, vector<1x16xi32>,
    %get3A_353 = vector.shape_cast %get3A_352 : vector<1x16xi32> to vector<16xi32>
    %add3A_354 = arith.constant 360 : i32
    %add3A_355 = vector.broadcast %add3A_354 : i32 to vector<16xi32>
    %add3A_356 = arith.addi %get3A_353, %add3A_355 : vector<16xi32>
    %swap3A_357 = arith.constant 3 : i32
    %swap3A_358 = arith.index_cast %swap3A_357 : i32 to index
    %swap3A_359 = arith.constant 16 : index
    %swap3A_360 = tpu.vector_load %arg5[%swap3A_358, %swap3A_359] {strides = array<i32>} : memref<8x128xi32, #tpu.memory_space<vmem>>, vector<1x16xi32>,
    %swap3A_361 = vector.shape_cast %swap3A_360 : vector<1x16xi32> to vector<16xi32>
    %swap3A_362 = vector.shape_cast %add3A_356 : vector<16xi32> to vector<1x16xi32>
    tpu.vector_store %arg5[%swap3A_358, %swap3A_359], %swap3A_362 {strides = array<i32>} : memref<8x128xi32, #tpu.memory_space<vmem>>, vector<1x16xi32>,
    %get3A_363 = arith.constant 3 : i32
    %get3A_364 = arith.index_cast %get3A_363 : i32 to index
    %get3A_365 = arith.constant 32 : index
    %get3A_366 = tpu.vector_load %arg5[%get3A_364, %get3A_365] {strides = array<i32>} : memref<8x128xi32, #tpu.memory_space<vmem>>, vector<1x16xi32>,
    %get3A_367 = vector.shape_cast %get3A_366 : vector<1x16xi32> to vector<16xi32>
    %add3A_368 = arith.constant 360 : i32
    %add3A_369 = vector.broadcast %add3A_368 : i32 to vector<16xi32>
    %add3A_370 = arith.addi %get3A_367, %add3A_369 : vector<16xi32>
    %swap3A_371 = arith.constant 3 : i32
    %swap3A_372 = arith.index_cast %swap3A_371 : i32 to index
    %swap3A_373 = arith.constant 32 : index
    %swap3A_374 = tpu.vector_load %arg5[%swap3A_372, %swap3A_373] {strides = array<i32>} : memref<8x128xi32, #tpu.memory_space<vmem>>, vector<1x16xi32>,
    %swap3A_375 = vector.shape_cast %swap3A_374 : vector<1x16xi32> to vector<16xi32>
    %swap3A_376 = vector.shape_cast %add3A_370 : vector<16xi32> to vector<1x16xi32>
    tpu.vector_store %arg5[%swap3A_372, %swap3A_373], %swap3A_376 {strides = array<i32>} : memref<8x128xi32, #tpu.memory_space<vmem>>, vector<1x16xi32>,
    %get3A_377 = arith.constant 3 : i32
    %get3A_378 = arith.index_cast %get3A_377 : i32 to index
    %get3A_379 = arith.constant 48 : index
    %get3A_380 = tpu.vector_load %arg5[%get3A_378, %get3A_379] {strides = array<i32>} : memref<8x128xi32, #tpu.memory_space<vmem>>, vector<1x16xi32>,
    %get3A_381 = vector.shape_cast %get3A_380 : vector<1x16xi32> to vector<16xi32>
    %add3A_382 = arith.constant 360 : i32
    %add3A_383 = vector.broadcast %add3A_382 : i32 to vector<16xi32>
    %add3A_384 = arith.addi %get3A_381, %add3A_383 : vector<16xi32>
    %swap3A_385 = arith.constant 3 : i32
    %swap3A_386 = arith.index_cast %swap3A_385 : i32 to index
    %swap3A_387 = arith.constant 48 : index
    %swap3A_388 = tpu.vector_load %arg5[%swap3A_386, %swap3A_387] {strides = array<i32>} : memref<8x128xi32, #tpu.memory_space<vmem>>, vector<1x16xi32>,
    %swap3A_389 = vector.shape_cast %swap3A_388 : vector<1x16xi32> to vector<16xi32>
    %swap3A_390 = vector.shape_cast %add3A_384 : vector<16xi32> to vector<1x16xi32>
    tpu.vector_store %arg5[%swap3A_386, %swap3A_387], %swap3A_390 {strides = array<i32>} : memref<8x128xi32, #tpu.memory_space<vmem>>, vector<1x16xi32>,
    %get3A_391 = arith.constant 3 : i32
    %get3A_392 = arith.index_cast %get3A_391 : i32 to index
    %get3A_393 = arith.constant 64 : index
    %get3A_394 = tpu.vector_load %arg5[%get3A_392, %get3A_393] {strides = array<i32>} : memref<8x128xi32, #tpu.memory_space<vmem>>, vector<1x16xi32>,
    %get3A_395 = vector.shape_cast %get3A_394 : vector<1x16xi32> to vector<16xi32>
    %add3A_396 = arith.constant 360 : i32
    %add3A_397 = vector.broadcast %add3A_396 : i32 to vector<16xi32>
    %add3A_398 = arith.addi %get3A_395, %add3A_397 : vector<16xi32>
    %swap3A_399 = arith.constant 3 : i32
    %swap3A_400 = arith.index_cast %swap3A_399 : i32 to index
    %swap3A_401 = arith.constant 64 : index
    %swap3A_402 = tpu.vector_load %arg5[%swap3A_400, %swap3A_401] {strides = array<i32>} : memref<8x128xi32, #tpu.memory_space<vmem>>, vector<1x16xi32>,
    %swap3A_403 = vector.shape_cast %swap3A_402 : vector<1x16xi32> to vector<16xi32>
    %swap3A_404 = vector.shape_cast %add3A_398 : vector<16xi32> to vector<1x16xi32>
    tpu.vector_store %arg5[%swap3A_400, %swap3A_401], %swap3A_404 {strides = array<i32>} : memref<8x128xi32, #tpu.memory_space<vmem>>, vector<1x16xi32>,
    %get3A_405 = arith.constant 3 : i32
    %get3A_406 = arith.index_cast %get3A_405 : i32 to index
    %get3A_407 = arith.constant 80 : index
    %get3A_408 = tpu.vector_load %arg5[%get3A_406, %get3A_407] {strides = array<i32>} : memref<8x128xi32, #tpu.memory_space<vmem>>, vector<1x16xi32>,
    %get3A_409 = vector.shape_cast %get3A_408 : vector<1x16xi32> to vector<16xi32>
    %add3A_410 = arith.constant 360 : i32
    %add3A_411 = vector.broadcast %add3A_410 : i32 to vector<16xi32>
    %add3A_412 = arith.addi %get3A_409, %add3A_411 : vector<16xi32>
    %swap3A_413 = arith.constant 3 : i32
    %swap3A_414 = arith.index_cast %swap3A_413 : i32 to index
    %swap3A_415 = arith.constant 80 : index
    %swap3A_416 = tpu.vector_load %arg5[%swap3A_414, %swap3A_415] {strides = array<i32>} : memref<8x128xi32, #tpu.memory_space<vmem>>, vector<1x16xi32>,
    %swap3A_417 = vector.shape_cast %swap3A_416 : vector<1x16xi32> to vector<16xi32>
    %swap3A_418 = vector.shape_cast %add3A_412 : vector<16xi32> to vector<1x16xi32>
    tpu.vector_store %arg5[%swap3A_414, %swap3A_415], %swap3A_418 {strides = array<i32>} : memref<8x128xi32, #tpu.memory_space<vmem>>, vector<1x16xi32>,
    %get3A_419 = arith.constant 3 : i32
    %get3A_420 = arith.index_cast %get3A_419 : i32 to index
    %get3A_421 = arith.constant 96 : index
    %get3A_422 = tpu.vector_load %arg5[%get3A_420, %get3A_421] {strides = array<i32>} : memref<8x128xi32, #tpu.memory_space<vmem>>, vector<1x16xi32>,
    %get3A_423 = vector.shape_cast %get3A_422 : vector<1x16xi32> to vector<16xi32>
    %add3A_424 = arith.constant 360 : i32
    %add3A_425 = vector.broadcast %add3A_424 : i32 to vector<16xi32>
    %add3A_426 = arith.addi %get3A_423, %add3A_425 : vector<16xi32>
    %swap3A_427 = arith.constant 3 : i32
    %swap3A_428 = arith.index_cast %swap3A_427 : i32 to index
    %swap3A_429 = arith.constant 96 : index
    %swap3A_430 = tpu.vector_load %arg5[%swap3A_428, %swap3A_429] {strides = array<i32>} : memref<8x128xi32, #tpu.memory_space<vmem>>, vector<1x16xi32>,
    %swap3A_431 = vector.shape_cast %swap3A_430 : vector<1x16xi32> to vector<16xi32>
    %swap3A_432 = vector.shape_cast %add3A_426 : vector<16xi32> to vector<1x16xi32>
    tpu.vector_store %arg5[%swap3A_428, %swap3A_429], %swap3A_432 {strides = array<i32>} : memref<8x128xi32, #tpu.memory_space<vmem>>, vector<1x16xi32>,
    %get3A_433 = arith.constant 3 : i32
    %get3A_434 = arith.index_cast %get3A_433 : i32 to index
    %get3A_435 = arith.constant 112 : index
    %get3A_436 = tpu.vector_load %arg5[%get3A_434, %get3A_435] {strides = array<i32>} : memref<8x128xi32, #tpu.memory_space<vmem>>, vector<1x16xi32>,
    %get3A_437 = vector.shape_cast %get3A_436 : vector<1x16xi32> to vector<16xi32>
    %add3A_438 = arith.constant 360 : i32
    %add3A_439 = vector.broadcast %add3A_438 : i32 to vector<16xi32>
    %add3A_440 = arith.addi %get3A_437, %add3A_439 : vector<16xi32>
    %swap3A_441 = arith.constant 3 : i32
    %swap3A_442 = arith.index_cast %swap3A_441 : i32 to index
    %swap3A_443 = arith.constant 112 : index
    %swap3A_444 = tpu.vector_load %arg5[%swap3A_442, %swap3A_443] {strides = array<i32>} : memref<8x128xi32, #tpu.memory_space<vmem>>, vector<1x16xi32>,
    %swap3A_445 = vector.shape_cast %swap3A_444 : vector<1x16xi32> to vector<16xi32>
    %swap3A_446 = vector.shape_cast %add3A_440 : vector<16xi32> to vector<1x16xi32>
    tpu.vector_store %arg5[%swap3A_442, %swap3A_443], %swap3A_446 {strides = array<i32>} : memref<8x128xi32, #tpu.memory_space<vmem>>, vector<1x16xi32>,
    %get3A_447 = arith.constant 4 : i32
    %get3A_448 = arith.index_cast %get3A_447 : i32 to index
    %get3A_449 = arith.constant 0 : index
    %get3A_450 = tpu.vector_load %arg5[%get3A_448, %get3A_449] {strides = array<i32>} : memref<8x128xi32, #tpu.memory_space<vmem>>, vector<1x16xi32>,
    %get3A_451 = vector.shape_cast %get3A_450 : vector<1x16xi32> to vector<16xi32>
    %add3A_452 = arith.constant 360 : i32
    %add3A_453 = vector.broadcast %add3A_452 : i32 to vector<16xi32>
    %add3A_454 = arith.addi %get3A_451, %add3A_453 : vector<16xi32>
    %swap3A_455 = arith.constant 4 : i32
    %swap3A_456 = arith.index_cast %swap3A_455 : i32 to index
    %swap3A_457 = arith.constant 0 : index
    %swap3A_458 = tpu.vector_load %arg5[%swap3A_456, %swap3A_457] {strides = array<i32>} : memref<8x128xi32, #tpu.memory_space<vmem>>, vector<1x16xi32>,
    %swap3A_459 = vector.shape_cast %swap3A_458 : vector<1x16xi32> to vector<16xi32>
    %swap3A_460 = vector.shape_cast %add3A_454 : vector<16xi32> to vector<1x16xi32>
    tpu.vector_store %arg5[%swap3A_456, %swap3A_457], %swap3A_460 {strides = array<i32>} : memref<8x128xi32, #tpu.memory_space<vmem>>, vector<1x16xi32>,
    %get3A_461 = arith.constant 4 : i32
    %get3A_462 = arith.index_cast %get3A_461 : i32 to index
    %get3A_463 = arith.constant 16 : index
    %get3A_464 = tpu.vector_load %arg5[%get3A_462, %get3A_463] {strides = array<i32>} : memref<8x128xi32, #tpu.memory_space<vmem>>, vector<1x16xi32>,
    %get3A_465 = vector.shape_cast %get3A_464 : vector<1x16xi32> to vector<16xi32>
    %add3A_466 = arith.constant 360 : i32
    %add3A_467 = vector.broadcast %add3A_466 : i32 to vector<16xi32>
    %add3A_468 = arith.addi %get3A_465, %add3A_467 : vector<16xi32>
    %swap3A_469 = arith.constant 4 : i32
    %swap3A_470 = arith.index_cast %swap3A_469 : i32 to index
    %swap3A_471 = arith.constant 16 : index
    %swap3A_472 = tpu.vector_load %arg5[%swap3A_470, %swap3A_471] {strides = array<i32>} : memref<8x128xi32, #tpu.memory_space<vmem>>, vector<1x16xi32>,
    %swap3A_473 = vector.shape_cast %swap3A_472 : vector<1x16xi32> to vector<16xi32>
    %swap3A_474 = vector.shape_cast %add3A_468 : vector<16xi32> to vector<1x16xi32>
    tpu.vector_store %arg5[%swap3A_470, %swap3A_471], %swap3A_474 {strides = array<i32>} : memref<8x128xi32, #tpu.memory_space<vmem>>, vector<1x16xi32>,
    %get3A_475 = arith.constant 4 : i32
    %get3A_476 = arith.index_cast %get3A_475 : i32 to index
    %get3A_477 = arith.constant 32 : index
    %get3A_478 = tpu.vector_load %arg5[%get3A_476, %get3A_477] {strides = array<i32>} : memref<8x128xi32, #tpu.memory_space<vmem>>, vector<1x16xi32>,
    %get3A_479 = vector.shape_cast %get3A_478 : vector<1x16xi32> to vector<16xi32>
    %add3A_480 = arith.constant 360 : i32
    %add3A_481 = vector.broadcast %add3A_480 : i32 to vector<16xi32>
    %add3A_482 = arith.addi %get3A_479, %add3A_481 : vector<16xi32>
    %swap3A_483 = arith.constant 4 : i32
    %swap3A_484 = arith.index_cast %swap3A_483 : i32 to index
    %swap3A_485 = arith.constant 32 : index
    %swap3A_486 = tpu.vector_load %arg5[%swap3A_484, %swap3A_485] {strides = array<i32>} : memref<8x128xi32, #tpu.memory_space<vmem>>, vector<1x16xi32>,
    %swap3A_487 = vector.shape_cast %swap3A_486 : vector<1x16xi32> to vector<16xi32>
    %swap3A_488 = vector.shape_cast %add3A_482 : vector<16xi32> to vector<1x16xi32>
    tpu.vector_store %arg5[%swap3A_484, %swap3A_485], %swap3A_488 {strides = array<i32>} : memref<8x128xi32, #tpu.memory_space<vmem>>, vector<1x16xi32>,
    %get3A_489 = arith.constant 4 : i32
    %get3A_490 = arith.index_cast %get3A_489 : i32 to index
    %get3A_491 = arith.constant 48 : index
    %get3A_492 = tpu.vector_load %arg5[%get3A_490, %get3A_491] {strides = array<i32>} : memref<8x128xi32, #tpu.memory_space<vmem>>, vector<1x16xi32>,
    %get3A_493 = vector.shape_cast %get3A_492 : vector<1x16xi32> to vector<16xi32>
    %add3A_494 = arith.constant 360 : i32
    %add3A_495 = vector.broadcast %add3A_494 : i32 to vector<16xi32>
    %add3A_496 = arith.addi %get3A_493, %add3A_495 : vector<16xi32>
    %swap3A_497 = arith.constant 4 : i32
    %swap3A_498 = arith.index_cast %swap3A_497 : i32 to index
    %swap3A_499 = arith.constant 48 : index
    %swap3A_500 = tpu.vector_load %arg5[%swap3A_498, %swap3A_499] {strides = array<i32>} : memref<8x128xi32, #tpu.memory_space<vmem>>, vector<1x16xi32>,
    %swap3A_501 = vector.shape_cast %swap3A_500 : vector<1x16xi32> to vector<16xi32>
    %swap3A_502 = vector.shape_cast %add3A_496 : vector<16xi32> to vector<1x16xi32>
    tpu.vector_store %arg5[%swap3A_498, %swap3A_499], %swap3A_502 {strides = array<i32>} : memref<8x128xi32, #tpu.memory_space<vmem>>, vector<1x16xi32>,
    %get3A_503 = arith.constant 4 : i32
    %get3A_504 = arith.index_cast %get3A_503 : i32 to index
    %get3A_505 = arith.constant 64 : index
    %get3A_506 = tpu.vector_load %arg5[%get3A_504, %get3A_505] {strides = array<i32>} : memref<8x128xi32, #tpu.memory_space<vmem>>, vector<1x16xi32>,
    %get3A_507 = vector.shape_cast %get3A_506 : vector<1x16xi32> to vector<16xi32>
    %add3A_508 = arith.constant 360 : i32
    %add3A_509 = vector.broadcast %add3A_508 : i32 to vector<16xi32>
    %add3A_510 = arith.addi %get3A_507, %add3A_509 : vector<16xi32>
    %swap3A_511 = arith.constant 4 : i32
    %swap3A_512 = arith.index_cast %swap3A_511 : i32 to index
    %swap3A_513 = arith.constant 64 : index
    %swap3A_514 = tpu.vector_load %arg5[%swap3A_512, %swap3A_513] {strides = array<i32>} : memref<8x128xi32, #tpu.memory_space<vmem>>, vector<1x16xi32>,
    %swap3A_515 = vector.shape_cast %swap3A_514 : vector<1x16xi32> to vector<16xi32>
    %swap3A_516 = vector.shape_cast %add3A_510 : vector<16xi32> to vector<1x16xi32>
    tpu.vector_store %arg5[%swap3A_512, %swap3A_513], %swap3A_516 {strides = array<i32>} : memref<8x128xi32, #tpu.memory_space<vmem>>, vector<1x16xi32>,
    %get3A_517 = arith.constant 4 : i32
    %get3A_518 = arith.index_cast %get3A_517 : i32 to index
    %get3A_519 = arith.constant 80 : index
    %get3A_520 = tpu.vector_load %arg5[%get3A_518, %get3A_519] {strides = array<i32>} : memref<8x128xi32, #tpu.memory_space<vmem>>, vector<1x16xi32>,
    %get3A_521 = vector.shape_cast %get3A_520 : vector<1x16xi32> to vector<16xi32>
    %add3A_522 = arith.constant 360 : i32
    %add3A_523 = vector.broadcast %add3A_522 : i32 to vector<16xi32>
    %add3A_524 = arith.addi %get3A_521, %add3A_523 : vector<16xi32>
    %swap3A_525 = arith.constant 4 : i32
    %swap3A_526 = arith.index_cast %swap3A_525 : i32 to index
    %swap3A_527 = arith.constant 80 : index
    %swap3A_528 = tpu.vector_load %arg5[%swap3A_526, %swap3A_527] {strides = array<i32>} : memref<8x128xi32, #tpu.memory_space<vmem>>, vector<1x16xi32>,
    %swap3A_529 = vector.shape_cast %swap3A_528 : vector<1x16xi32> to vector<16xi32>
    %swap3A_530 = vector.shape_cast %add3A_524 : vector<16xi32> to vector<1x16xi32>
    tpu.vector_store %arg5[%swap3A_526, %swap3A_527], %swap3A_530 {strides = array<i32>} : memref<8x128xi32, #tpu.memory_space<vmem>>, vector<1x16xi32>,
    %get3A_531 = arith.constant 4 : i32
    %get3A_532 = arith.index_cast %get3A_531 : i32 to index
    %get3A_533 = arith.constant 96 : index
    %get3A_534 = tpu.vector_load %arg5[%get3A_532, %get3A_533] {strides = array<i32>} : memref<8x128xi32, #tpu.memory_space<vmem>>, vector<1x16xi32>,
    %get3A_535 = vector.shape_cast %get3A_534 : vector<1x16xi32> to vector<16xi32>
    %add3A_536 = arith.constant 360 : i32
    %add3A_537 = vector.broadcast %add3A_536 : i32 to vector<16xi32>
    %add3A_538 = arith.addi %get3A_535, %add3A_537 : vector<16xi32>
    %swap3A_539 = arith.constant 4 : i32
    %swap3A_540 = arith.index_cast %swap3A_539 : i32 to index
    %swap3A_541 = arith.constant 96 : index
    %swap3A_542 = tpu.vector_load %arg5[%swap3A_540, %swap3A_541] {strides = array<i32>} : memref<8x128xi32, #tpu.memory_space<vmem>>, vector<1x16xi32>,
    %swap3A_543 = vector.shape_cast %swap3A_542 : vector<1x16xi32> to vector<16xi32>
    %swap3A_544 = vector.shape_cast %add3A_538 : vector<16xi32> to vector<1x16xi32>
    tpu.vector_store %arg5[%swap3A_540, %swap3A_541], %swap3A_544 {strides = array<i32>} : memref<8x128xi32, #tpu.memory_space<vmem>>, vector<1x16xi32>,
    %get3A_545 = arith.constant 4 : i32
    %get3A_546 = arith.index_cast %get3A_545 : i32 to index
    %get3A_547 = arith.constant 112 : index
    %get3A_548 = tpu.vector_load %arg5[%get3A_546, %get3A_547] {strides = array<i32>} : memref<8x128xi32, #tpu.memory_space<vmem>>, vector<1x16xi32>,
    %get3A_549 = vector.shape_cast %get3A_548 : vector<1x16xi32> to vector<16xi32>
    %add3A_550 = arith.constant 360 : i32
    %add3A_551 = vector.broadcast %add3A_550 : i32 to vector<16xi32>
    %add3A_552 = arith.addi %get3A_549, %add3A_551 : vector<16xi32>
    %swap3A_553 = arith.constant 4 : i32
    %swap3A_554 = arith.index_cast %swap3A_553 : i32 to index
    %swap3A_555 = arith.constant 112 : index
    %swap3A_556 = tpu.vector_load %arg5[%swap3A_554, %swap3A_555] {strides = array<i32>} : memref<8x128xi32, #tpu.memory_space<vmem>>, vector<1x16xi32>,
    %swap3A_557 = vector.shape_cast %swap3A_556 : vector<1x16xi32> to vector<16xi32>
    %swap3A_558 = vector.shape_cast %add3A_552 : vector<16xi32> to vector<1x16xi32>
    tpu.vector_store %arg5[%swap3A_554, %swap3A_555], %swap3A_558 {strides = array<i32>} : memref<8x128xi32, #tpu.memory_space<vmem>>, vector<1x16xi32>,
    %get3A_559 = arith.constant 5 : i32
    %get3A_560 = arith.index_cast %get3A_559 : i32 to index
    %get3A_561 = arith.constant 0 : index
    %get3A_562 = tpu.vector_load %arg5[%get3A_560, %get3A_561] {strides = array<i32>} : memref<8x128xi32, #tpu.memory_space<vmem>>, vector<1x16xi32>,
    %get3A_563 = vector.shape_cast %get3A_562 : vector<1x16xi32> to vector<16xi32>
    %add3A_564 = arith.constant 360 : i32
    %add3A_565 = vector.broadcast %add3A_564 : i32 to vector<16xi32>
    %add3A_566 = arith.addi %get3A_563, %add3A_565 : vector<16xi32>
    %swap3A_567 = arith.constant 5 : i32
    %swap3A_568 = arith.index_cast %swap3A_567 : i32 to index
    %swap3A_569 = arith.constant 0 : index
    %swap3A_570 = tpu.vector_load %arg5[%swap3A_568, %swap3A_569] {strides = array<i32>} : memref<8x128xi32, #tpu.memory_space<vmem>>, vector<1x16xi32>,
    %swap3A_571 = vector.shape_cast %swap3A_570 : vector<1x16xi32> to vector<16xi32>
    %swap3A_572 = vector.shape_cast %add3A_566 : vector<16xi32> to vector<1x16xi32>
    tpu.vector_store %arg5[%swap3A_568, %swap3A_569], %swap3A_572 {strides = array<i32>} : memref<8x128xi32, #tpu.memory_space<vmem>>, vector<1x16xi32>,
    %get3A_573 = arith.constant 5 : i32
    %get3A_574 = arith.index_cast %get3A_573 : i32 to index
    %get3A_575 = arith.constant 16 : index
    %get3A_576 = tpu.vector_load %arg5[%get3A_574, %get3A_575] {strides = array<i32>} : memref<8x128xi32, #tpu.memory_space<vmem>>, vector<1x16xi32>,
    %get3A_577 = vector.shape_cast %get3A_576 : vector<1x16xi32> to vector<16xi32>
    %add3A_578 = arith.constant 360 : i32
    %add3A_579 = vector.broadcast %add3A_578 : i32 to vector<16xi32>
    %add3A_580 = arith.addi %get3A_577, %add3A_579 : vector<16xi32>
    %swap3A_581 = arith.constant 5 : i32
    %swap3A_582 = arith.index_cast %swap3A_581 : i32 to index
    %swap3A_583 = arith.constant 16 : index
    %swap3A_584 = tpu.vector_load %arg5[%swap3A_582, %swap3A_583] {strides = array<i32>} : memref<8x128xi32, #tpu.memory_space<vmem>>, vector<1x16xi32>,
    %swap3A_585 = vector.shape_cast %swap3A_584 : vector<1x16xi32> to vector<16xi32>
    %swap3A_586 = vector.shape_cast %add3A_580 : vector<16xi32> to vector<1x16xi32>
    tpu.vector_store %arg5[%swap3A_582, %swap3A_583], %swap3A_586 {strides = array<i32>} : memref<8x128xi32, #tpu.memory_space<vmem>>, vector<1x16xi32>,
    %get3A_587 = arith.constant 5 : i32
    %get3A_588 = arith.index_cast %get3A_587 : i32 to index
    %get3A_589 = arith.constant 32 : index
    %get3A_590 = tpu.vector_load %arg5[%get3A_588, %get3A_589] {strides = array<i32>} : memref<8x128xi32, #tpu.memory_space<vmem>>, vector<1x16xi32>,
    %get3A_591 = vector.shape_cast %get3A_590 : vector<1x16xi32> to vector<16xi32>
    %add3A_592 = arith.constant 360 : i32
    %add3A_593 = vector.broadcast %add3A_592 : i32 to vector<16xi32>
    %add3A_594 = arith.addi %get3A_591, %add3A_593 : vector<16xi32>
    %swap3A_595 = arith.constant 5 : i32
    %swap3A_596 = arith.index_cast %swap3A_595 : i32 to index
    %swap3A_597 = arith.constant 32 : index
    %swap3A_598 = tpu.vector_load %arg5[%swap3A_596, %swap3A_597] {strides = array<i32>} : memref<8x128xi32, #tpu.memory_space<vmem>>, vector<1x16xi32>,
    %swap3A_599 = vector.shape_cast %swap3A_598 : vector<1x16xi32> to vector<16xi32>
    %swap3A_600 = vector.shape_cast %add3A_594 : vector<16xi32> to vector<1x16xi32>
    tpu.vector_store %arg5[%swap3A_596, %swap3A_597], %swap3A_600 {strides = array<i32>} : memref<8x128xi32, #tpu.memory_space<vmem>>, vector<1x16xi32>,
    %get3A_601 = arith.constant 5 : i32
    %get3A_602 = arith.index_cast %get3A_601 : i32 to index
    %get3A_603 = arith.constant 48 : index
    %get3A_604 = tpu.vector_load %arg5[%get3A_602, %get3A_603] {strides = array<i32>} : memref<8x128xi32, #tpu.memory_space<vmem>>, vector<1x16xi32>,
    %get3A_605 = vector.shape_cast %get3A_604 : vector<1x16xi32> to vector<16xi32>
    %add3A_606 = arith.constant 360 : i32
    %add3A_607 = vector.broadcast %add3A_606 : i32 to vector<16xi32>
    %add3A_608 = arith.addi %get3A_605, %add3A_607 : vector<16xi32>
    %swap3A_609 = arith.constant 5 : i32
    %swap3A_610 = arith.index_cast %swap3A_609 : i32 to index
    %swap3A_611 = arith.constant 48 : index
    %swap3A_612 = tpu.vector_load %arg5[%swap3A_610, %swap3A_611] {strides = array<i32>} : memref<8x128xi32, #tpu.memory_space<vmem>>, vector<1x16xi32>,
    %swap3A_613 = vector.shape_cast %swap3A_612 : vector<1x16xi32> to vector<16xi32>
    %swap3A_614 = vector.shape_cast %add3A_608 : vector<16xi32> to vector<1x16xi32>
    tpu.vector_store %arg5[%swap3A_610, %swap3A_611], %swap3A_614 {strides = array<i32>} : memref<8x128xi32, #tpu.memory_space<vmem>>, vector<1x16xi32>,
    %get3A_615 = arith.constant 5 : i32
    %get3A_616 = arith.index_cast %get3A_615 : i32 to index
    %get3A_617 = arith.constant 64 : index
    %get3A_618 = tpu.vector_load %arg5[%get3A_616, %get3A_617] {strides = array<i32>} : memref<8x128xi32, #tpu.memory_space<vmem>>, vector<1x16xi32>,
    %get3A_619 = vector.shape_cast %get3A_618 : vector<1x16xi32> to vector<16xi32>
    %add3A_620 = arith.constant 360 : i32
    %add3A_621 = vector.broadcast %add3A_620 : i32 to vector<16xi32>
    %add3A_622 = arith.addi %get3A_619, %add3A_621 : vector<16xi32>
    %swap3A_623 = arith.constant 5 : i32
    %swap3A_624 = arith.index_cast %swap3A_623 : i32 to index
    %swap3A_625 = arith.constant 64 : index
    %swap3A_626 = tpu.vector_load %arg5[%swap3A_624, %swap3A_625] {strides = array<i32>} : memref<8x128xi32, #tpu.memory_space<vmem>>, vector<1x16xi32>,
    %swap3A_627 = vector.shape_cast %swap3A_626 : vector<1x16xi32> to vector<16xi32>
    %swap3A_628 = vector.shape_cast %add3A_622 : vector<16xi32> to vector<1x16xi32>
    tpu.vector_store %arg5[%swap3A_624, %swap3A_625], %swap3A_628 {strides = array<i32>} : memref<8x128xi32, #tpu.memory_space<vmem>>, vector<1x16xi32>,
    %get3A_629 = arith.constant 5 : i32
    %get3A_630 = arith.index_cast %get3A_629 : i32 to index
    %get3A_631 = arith.constant 80 : index
    %get3A_632 = tpu.vector_load %arg5[%get3A_630, %get3A_631] {strides = array<i32>} : memref<8x128xi32, #tpu.memory_space<vmem>>, vector<1x16xi32>,
    %get3A_633 = vector.shape_cast %get3A_632 : vector<1x16xi32> to vector<16xi32>
    %add3A_634 = arith.constant 360 : i32
    %add3A_635 = vector.broadcast %add3A_634 : i32 to vector<16xi32>
    %add3A_636 = arith.addi %get3A_633, %add3A_635 : vector<16xi32>
    %swap3A_637 = arith.constant 5 : i32
    %swap3A_638 = arith.index_cast %swap3A_637 : i32 to index
    %swap3A_639 = arith.constant 80 : index
    %swap3A_640 = tpu.vector_load %arg5[%swap3A_638, %swap3A_639] {strides = array<i32>} : memref<8x128xi32, #tpu.memory_space<vmem>>, vector<1x16xi32>,
    %swap3A_641 = vector.shape_cast %swap3A_640 : vector<1x16xi32> to vector<16xi32>
    %swap3A_642 = vector.shape_cast %add3A_636 : vector<16xi32> to vector<1x16xi32>
    tpu.vector_store %arg5[%swap3A_638, %swap3A_639], %swap3A_642 {strides = array<i32>} : memref<8x128xi32, #tpu.memory_space<vmem>>, vector<1x16xi32>,
    %get3A_643 = arith.constant 5 : i32
    %get3A_644 = arith.index_cast %get3A_643 : i32 to index
    %get3A_645 = arith.constant 96 : index
    %get3A_646 = tpu.vector_load %arg5[%get3A_644, %get3A_645] {strides = array<i32>} : memref<8x128xi32, #tpu.memory_space<vmem>>, vector<1x16xi32>,
    %get3A_647 = vector.shape_cast %get3A_646 : vector<1x16xi32> to vector<16xi32>
    %add3A_648 = arith.constant 360 : i32
    %add3A_649 = vector.broadcast %add3A_648 : i32 to vector<16xi32>
    %add3A_650 = arith.addi %get3A_647, %add3A_649 : vector<16xi32>
    %swap3A_651 = arith.constant 5 : i32
    %swap3A_652 = arith.index_cast %swap3A_651 : i32 to index
    %swap3A_653 = arith.constant 96 : index
    %swap3A_654 = tpu.vector_load %arg5[%swap3A_652, %swap3A_653] {strides = array<i32>} : memref<8x128xi32, #tpu.memory_space<vmem>>, vector<1x16xi32>,
    %swap3A_655 = vector.shape_cast %swap3A_654 : vector<1x16xi32> to vector<16xi32>
    %swap3A_656 = vector.shape_cast %add3A_650 : vector<16xi32> to vector<1x16xi32>
    tpu.vector_store %arg5[%swap3A_652, %swap3A_653], %swap3A_656 {strides = array<i32>} : memref<8x128xi32, #tpu.memory_space<vmem>>, vector<1x16xi32>,
    %get3A_657 = arith.constant 5 : i32
    %get3A_658 = arith.index_cast %get3A_657 : i32 to index
    %get3A_659 = arith.constant 112 : index
    %get3A_660 = tpu.vector_load %arg5[%get3A_658, %get3A_659] {strides = array<i32>} : memref<8x128xi32, #tpu.memory_space<vmem>>, vector<1x16xi32>,
    %get3A_661 = vector.shape_cast %get3A_660 : vector<1x16xi32> to vector<16xi32>
    %add3A_662 = arith.constant 360 : i32
    %add3A_663 = vector.broadcast %add3A_662 : i32 to vector<16xi32>
    %add3A_664 = arith.addi %get3A_661, %add3A_663 : vector<16xi32>
    %swap3A_665 = arith.constant 5 : i32
    %swap3A_666 = arith.index_cast %swap3A_665 : i32 to index
    %swap3A_667 = arith.constant 112 : index
    %swap3A_668 = tpu.vector_load %arg5[%swap3A_666, %swap3A_667] {strides = array<i32>} : memref<8x128xi32, #tpu.memory_space<vmem>>, vector<1x16xi32>,
    %swap3A_669 = vector.shape_cast %swap3A_668 : vector<1x16xi32> to vector<16xi32>
    %swap3A_670 = vector.shape_cast %add3A_664 : vector<16xi32> to vector<1x16xi32>
    tpu.vector_store %arg5[%swap3A_666, %swap3A_667], %swap3A_670 {strides = array<i32>} : memref<8x128xi32, #tpu.memory_space<vmem>>, vector<1x16xi32>,
    %get3A_671 = arith.constant 6 : i32
    %get3A_672 = arith.index_cast %get3A_671 : i32 to index
    %get3A_673 = arith.constant 0 : index
    %get3A_674 = tpu.vector_load %arg5[%get3A_672, %get3A_673] {strides = array<i32>} : memref<8x128xi32, #tpu.memory_space<vmem>>, vector<1x16xi32>,
    %get3A_675 = vector.shape_cast %get3A_674 : vector<1x16xi32> to vector<16xi32>
    %add3A_676 = arith.constant 360 : i32
    %add3A_677 = vector.broadcast %add3A_676 : i32 to vector<16xi32>
    %add3A_678 = arith.addi %get3A_675, %add3A_677 : vector<16xi32>
    %swap3A_679 = arith.constant 6 : i32
    %swap3A_680 = arith.index_cast %swap3A_679 : i32 to index
    %swap3A_681 = arith.constant 0 : index
    %swap3A_682 = tpu.vector_load %arg5[%swap3A_680, %swap3A_681] {strides = array<i32>} : memref<8x128xi32, #tpu.memory_space<vmem>>, vector<1x16xi32>,
    %swap3A_683 = vector.shape_cast %swap3A_682 : vector<1x16xi32> to vector<16xi32>
    %swap3A_684 = vector.shape_cast %add3A_678 : vector<16xi32> to vector<1x16xi32>
    tpu.vector_store %arg5[%swap3A_680, %swap3A_681], %swap3A_684 {strides = array<i32>} : memref<8x128xi32, #tpu.memory_space<vmem>>, vector<1x16xi32>,
    %get3A_685 = arith.constant 6 : i32
    %get3A_686 = arith.index_cast %get3A_685 : i32 to index
    %get3A_687 = arith.constant 16 : index
    %get3A_688 = tpu.vector_load %arg5[%get3A_686, %get3A_687] {strides = array<i32>} : memref<8x128xi32, #tpu.memory_space<vmem>>, vector<1x16xi32>,
    %get3A_689 = vector.shape_cast %get3A_688 : vector<1x16xi32> to vector<16xi32>
    %add3A_690 = arith.constant 360 : i32
    %add3A_691 = vector.broadcast %add3A_690 : i32 to vector<16xi32>
    %add3A_692 = arith.addi %get3A_689, %add3A_691 : vector<16xi32>
    %swap3A_693 = arith.constant 6 : i32
    %swap3A_694 = arith.index_cast %swap3A_693 : i32 to index
    %swap3A_695 = arith.constant 16 : index
    %swap3A_696 = tpu.vector_load %arg5[%swap3A_694, %swap3A_695] {strides = array<i32>} : memref<8x128xi32, #tpu.memory_space<vmem>>, vector<1x16xi32>,
    %swap3A_697 = vector.shape_cast %swap3A_696 : vector<1x16xi32> to vector<16xi32>
    %swap3A_698 = vector.shape_cast %add3A_692 : vector<16xi32> to vector<1x16xi32>
    tpu.vector_store %arg5[%swap3A_694, %swap3A_695], %swap3A_698 {strides = array<i32>} : memref<8x128xi32, #tpu.memory_space<vmem>>, vector<1x16xi32>,
    %get3A_699 = arith.constant 6 : i32
    %get3A_700 = arith.index_cast %get3A_699 : i32 to index
    %get3A_701 = arith.constant 32 : index
    %get3A_702 = tpu.vector_load %arg5[%get3A_700, %get3A_701] {strides = array<i32>} : memref<8x128xi32, #tpu.memory_space<vmem>>, vector<1x16xi32>,
    %get3A_703 = vector.shape_cast %get3A_702 : vector<1x16xi32> to vector<16xi32>
    %add3A_704 = arith.constant 360 : i32
    %add3A_705 = vector.broadcast %add3A_704 : i32 to vector<16xi32>
    %add3A_706 = arith.addi %get3A_703, %add3A_705 : vector<16xi32>
    %swap3A_707 = arith.constant 6 : i32
    %swap3A_708 = arith.index_cast %swap3A_707 : i32 to index
    %swap3A_709 = arith.constant 32 : index
    %swap3A_710 = tpu.vector_load %arg5[%swap3A_708, %swap3A_709] {strides = array<i32>} : memref<8x128xi32, #tpu.memory_space<vmem>>, vector<1x16xi32>,
    %swap3A_711 = vector.shape_cast %swap3A_710 : vector<1x16xi32> to vector<16xi32>
    %swap3A_712 = vector.shape_cast %add3A_706 : vector<16xi32> to vector<1x16xi32>
    tpu.vector_store %arg5[%swap3A_708, %swap3A_709], %swap3A_712 {strides = array<i32>} : memref<8x128xi32, #tpu.memory_space<vmem>>, vector<1x16xi32>,
    %get3A_713 = arith.constant 6 : i32
    %get3A_714 = arith.index_cast %get3A_713 : i32 to index
    %get3A_715 = arith.constant 48 : index
    %get3A_716 = tpu.vector_load %arg5[%get3A_714, %get3A_715] {strides = array<i32>} : memref<8x128xi32, #tpu.memory_space<vmem>>, vector<1x16xi32>,
    %get3A_717 = vector.shape_cast %get3A_716 : vector<1x16xi32> to vector<16xi32>
    %add3A_718 = arith.constant 360 : i32
    %add3A_719 = vector.broadcast %add3A_718 : i32 to vector<16xi32>
    %add3A_720 = arith.addi %get3A_717, %add3A_719 : vector<16xi32>
    %swap3A_721 = arith.constant 6 : i32
    %swap3A_722 = arith.index_cast %swap3A_721 : i32 to index
    %swap3A_723 = arith.constant 48 : index
    %swap3A_724 = tpu.vector_load %arg5[%swap3A_722, %swap3A_723] {strides = array<i32>} : memref<8x128xi32, #tpu.memory_space<vmem>>, vector<1x16xi32>,
    %swap3A_725 = vector.shape_cast %swap3A_724 : vector<1x16xi32> to vector<16xi32>
    %swap3A_726 = vector.shape_cast %add3A_720 : vector<16xi32> to vector<1x16xi32>
    tpu.vector_store %arg5[%swap3A_722, %swap3A_723], %swap3A_726 {strides = array<i32>} : memref<8x128xi32, #tpu.memory_space<vmem>>, vector<1x16xi32>,
    %get3A_727 = arith.constant 6 : i32
    %get3A_728 = arith.index_cast %get3A_727 : i32 to index
    %get3A_729 = arith.constant 64 : index
    %get3A_730 = tpu.vector_load %arg5[%get3A_728, %get3A_729] {strides = array<i32>} : memref<8x128xi32, #tpu.memory_space<vmem>>, vector<1x16xi32>,
    %get3A_731 = vector.shape_cast %get3A_730 : vector<1x16xi32> to vector<16xi32>
    %add3A_732 = arith.constant 360 : i32
    %add3A_733 = vector.broadcast %add3A_732 : i32 to vector<16xi32>
    %add3A_734 = arith.addi %get3A_731, %add3A_733 : vector<16xi32>
    %swap3A_735 = arith.constant 6 : i32
    %swap3A_736 = arith.index_cast %swap3A_735 : i32 to index
    %swap3A_737 = arith.constant 64 : index
    %swap3A_738 = tpu.vector_load %arg5[%swap3A_736, %swap3A_737] {strides = array<i32>} : memref<8x128xi32, #tpu.memory_space<vmem>>, vector<1x16xi32>,
    %swap3A_739 = vector.shape_cast %swap3A_738 : vector<1x16xi32> to vector<16xi32>
    %swap3A_740 = vector.shape_cast %add3A_734 : vector<16xi32> to vector<1x16xi32>
    tpu.vector_store %arg5[%swap3A_736, %swap3A_737], %swap3A_740 {strides = array<i32>} : memref<8x128xi32, #tpu.memory_space<vmem>>, vector<1x16xi32>,
    %get3A_741 = arith.constant 6 : i32
    %get3A_742 = arith.index_cast %get3A_741 : i32 to index
    %get3A_743 = arith.constant 80 : index
    %get3A_744 = tpu.vector_load %arg5[%get3A_742, %get3A_743] {strides = array<i32>} : memref<8x128xi32, #tpu.memory_space<vmem>>, vector<1x16xi32>,
    %get3A_745 = vector.shape_cast %get3A_744 : vector<1x16xi32> to vector<16xi32>
    %add3A_746 = arith.constant 360 : i32
    %add3A_747 = vector.broadcast %add3A_746 : i32 to vector<16xi32>
    %add3A_748 = arith.addi %get3A_745, %add3A_747 : vector<16xi32>
    %swap3A_749 = arith.constant 6 : i32
    %swap3A_750 = arith.index_cast %swap3A_749 : i32 to index
    %swap3A_751 = arith.constant 80 : index
    %swap3A_752 = tpu.vector_load %arg5[%swap3A_750, %swap3A_751] {strides = array<i32>} : memref<8x128xi32, #tpu.memory_space<vmem>>, vector<1x16xi32>,
    %swap3A_753 = vector.shape_cast %swap3A_752 : vector<1x16xi32> to vector<16xi32>
    %swap3A_754 = vector.shape_cast %add3A_748 : vector<16xi32> to vector<1x16xi32>
    tpu.vector_store %arg5[%swap3A_750, %swap3A_751], %swap3A_754 {strides = array<i32>} : memref<8x128xi32, #tpu.memory_space<vmem>>, vector<1x16xi32>,
    %get3A_755 = arith.constant 6 : i32
    %get3A_756 = arith.index_cast %get3A_755 : i32 to index
    %get3A_757 = arith.constant 96 : index
    %get3A_758 = tpu.vector_load %arg5[%get3A_756, %get3A_757] {strides = array<i32>} : memref<8x128xi32, #tpu.memory_space<vmem>>, vector<1x16xi32>,
    %get3A_759 = vector.shape_cast %get3A_758 : vector<1x16xi32> to vector<16xi32>
    %add3A_760 = arith.constant 360 : i32
    %add3A_761 = vector.broadcast %add3A_760 : i32 to vector<16xi32>
    %add3A_762 = arith.addi %get3A_759, %add3A_761 : vector<16xi32>
    %swap3A_763 = arith.constant 6 : i32
    %swap3A_764 = arith.index_cast %swap3A_763 : i32 to index
    %swap3A_765 = arith.constant 96 : index
    %swap3A_766 = tpu.vector_load %arg5[%swap3A_764, %swap3A_765] {strides = array<i32>} : memref<8x128xi32, #tpu.memory_space<vmem>>, vector<1x16xi32>,
    %swap3A_767 = vector.shape_cast %swap3A_766 : vector<1x16xi32> to vector<16xi32>
    %swap3A_768 = vector.shape_cast %add3A_762 : vector<16xi32> to vector<1x16xi32>
    tpu.vector_store %arg5[%swap3A_764, %swap3A_765], %swap3A_768 {strides = array<i32>} : memref<8x128xi32, #tpu.memory_space<vmem>>, vector<1x16xi32>,
    %get3A_769 = arith.constant 6 : i32
    %get3A_770 = arith.index_cast %get3A_769 : i32 to index
    %get3A_771 = arith.constant 112 : index
    %get3A_772 = tpu.vector_load %arg5[%get3A_770, %get3A_771] {strides = array<i32>} : memref<8x128xi32, #tpu.memory_space<vmem>>, vector<1x16xi32>,
    %get3A_773 = vector.shape_cast %get3A_772 : vector<1x16xi32> to vector<16xi32>
    %add3A_774 = arith.constant 360 : i32
    %add3A_775 = vector.broadcast %add3A_774 : i32 to vector<16xi32>
    %add3A_776 = arith.addi %get3A_773, %add3A_775 : vector<16xi32>
    %swap3A_777 = arith.constant 6 : i32
    %swap3A_778 = arith.index_cast %swap3A_777 : i32 to index
    %swap3A_779 = arith.constant 112 : index
    %swap3A_780 = tpu.vector_load %arg5[%swap3A_778, %swap3A_779] {strides = array<i32>} : memref<8x128xi32, #tpu.memory_space<vmem>>, vector<1x16xi32>,
    %swap3A_781 = vector.shape_cast %swap3A_780 : vector<1x16xi32> to vector<16xi32>
    %swap3A_782 = vector.shape_cast %add3A_776 : vector<16xi32> to vector<1x16xi32>
    tpu.vector_store %arg5[%swap3A_778, %swap3A_779], %swap3A_782 {strides = array<i32>} : memref<8x128xi32, #tpu.memory_space<vmem>>, vector<1x16xi32>,
    %get3A_783 = arith.constant 7 : i32
    %get3A_784 = arith.index_cast %get3A_783 : i32 to index
    %get3A_785 = arith.constant 0 : index
    %get3A_786 = tpu.vector_load %arg5[%get3A_784, %get3A_785] {strides = array<i32>} : memref<8x128xi32, #tpu.memory_space<vmem>>, vector<1x16xi32>,
    %get3A_787 = vector.shape_cast %get3A_786 : vector<1x16xi32> to vector<16xi32>
    %add3A_788 = arith.constant 360 : i32
    %add3A_789 = vector.broadcast %add3A_788 : i32 to vector<16xi32>
    %add3A_790 = arith.addi %get3A_787, %add3A_789 : vector<16xi32>
    %swap3A_791 = arith.constant 7 : i32
    %swap3A_792 = arith.index_cast %swap3A_791 : i32 to index
    %swap3A_793 = arith.constant 0 : index
    %swap3A_794 = tpu.vector_load %arg5[%swap3A_792, %swap3A_793] {strides = array<i32>} : memref<8x128xi32, #tpu.memory_space<vmem>>, vector<1x16xi32>,
    %swap3A_795 = vector.shape_cast %swap3A_794 : vector<1x16xi32> to vector<16xi32>
    %swap3A_796 = vector.shape_cast %add3A_790 : vector<16xi32> to vector<1x16xi32>
    tpu.vector_store %arg5[%swap3A_792, %swap3A_793], %swap3A_796 {strides = array<i32>} : memref<8x128xi32, #tpu.memory_space<vmem>>, vector<1x16xi32>,
    %get3A_797 = arith.constant 7 : i32
    %get3A_798 = arith.index_cast %get3A_797 : i32 to index
    %get3A_799 = arith.constant 16 : index
    %get3A_800 = tpu.vector_load %arg5[%get3A_798, %get3A_799] {strides = array<i32>} : memref<8x128xi32, #tpu.memory_space<vmem>>, vector<1x16xi32>,
    %get3A_801 = vector.shape_cast %get3A_800 : vector<1x16xi32> to vector<16xi32>
    %add3A_802 = arith.constant 360 : i32
    %add3A_803 = vector.broadcast %add3A_802 : i32 to vector<16xi32>
    %add3A_804 = arith.addi %get3A_801, %add3A_803 : vector<16xi32>
    %swap3A_805 = arith.constant 7 : i32
    %swap3A_806 = arith.index_cast %swap3A_805 : i32 to index
    %swap3A_807 = arith.constant 16 : index
    %swap3A_808 = tpu.vector_load %arg5[%swap3A_806, %swap3A_807] {strides = array<i32>} : memref<8x128xi32, #tpu.memory_space<vmem>>, vector<1x16xi32>,
    %swap3A_809 = vector.shape_cast %swap3A_808 : vector<1x16xi32> to vector<16xi32>
    %swap3A_810 = vector.shape_cast %add3A_804 : vector<16xi32> to vector<1x16xi32>
    tpu.vector_store %arg5[%swap3A_806, %swap3A_807], %swap3A_810 {strides = array<i32>} : memref<8x128xi32, #tpu.memory_space<vmem>>, vector<1x16xi32>,
    %get3A_811 = arith.constant 7 : i32
    %get3A_812 = arith.index_cast %get3A_811 : i32 to index
    %get3A_813 = arith.constant 32 : index
    %get3A_814 = tpu.vector_load %arg5[%get3A_812, %get3A_813] {strides = array<i32>} : memref<8x128xi32, #tpu.memory_space<vmem>>, vector<1x16xi32>,
    %get3A_815 = vector.shape_cast %get3A_814 : vector<1x16xi32> to vector<16xi32>
    %add3A_816 = arith.constant 360 : i32
    %add3A_817 = vector.broadcast %add3A_816 : i32 to vector<16xi32>
    %add3A_818 = arith.addi %get3A_815, %add3A_817 : vector<16xi32>
    %swap3A_819 = arith.constant 7 : i32
    %swap3A_820 = arith.index_cast %swap3A_819 : i32 to index
    %swap3A_821 = arith.constant 32 : index
    %swap3A_822 = tpu.vector_load %arg5[%swap3A_820, %swap3A_821] {strides = array<i32>} : memref<8x128xi32, #tpu.memory_space<vmem>>, vector<1x16xi32>,
    %swap3A_823 = vector.shape_cast %swap3A_822 : vector<1x16xi32> to vector<16xi32>
    %swap3A_824 = vector.shape_cast %add3A_818 : vector<16xi32> to vector<1x16xi32>
    tpu.vector_store %arg5[%swap3A_820, %swap3A_821], %swap3A_824 {strides = array<i32>} : memref<8x128xi32, #tpu.memory_space<vmem>>, vector<1x16xi32>,
    %get3A_825 = arith.constant 7 : i32
    %get3A_826 = arith.index_cast %get3A_825 : i32 to index
    %get3A_827 = arith.constant 48 : index
    %get3A_828 = tpu.vector_load %arg5[%get3A_826, %get3A_827] {strides = array<i32>} : memref<8x128xi32, #tpu.memory_space<vmem>>, vector<1x16xi32>,
    %get3A_829 = vector.shape_cast %get3A_828 : vector<1x16xi32> to vector<16xi32>
    %add3A_830 = arith.constant 360 : i32
    %add3A_831 = vector.broadcast %add3A_830 : i32 to vector<16xi32>
    %add3A_832 = arith.addi %get3A_829, %add3A_831 : vector<16xi32>
    %swap3A_833 = arith.constant 7 : i32
    %swap3A_834 = arith.index_cast %swap3A_833 : i32 to index
    %swap3A_835 = arith.constant 48 : index
    %swap3A_836 = tpu.vector_load %arg5[%swap3A_834, %swap3A_835] {strides = array<i32>} : memref<8x128xi32, #tpu.memory_space<vmem>>, vector<1x16xi32>,
    %swap3A_837 = vector.shape_cast %swap3A_836 : vector<1x16xi32> to vector<16xi32>
    %swap3A_838 = vector.shape_cast %add3A_832 : vector<16xi32> to vector<1x16xi32>
    tpu.vector_store %arg5[%swap3A_834, %swap3A_835], %swap3A_838 {strides = array<i32>} : memref<8x128xi32, #tpu.memory_space<vmem>>, vector<1x16xi32>,
    %get3A_839 = arith.constant 7 : i32
    %get3A_840 = arith.index_cast %get3A_839 : i32 to index
    %get3A_841 = arith.constant 64 : index
    %get3A_842 = tpu.vector_load %arg5[%get3A_840, %get3A_841] {strides = array<i32>} : memref<8x128xi32, #tpu.memory_space<vmem>>, vector<1x16xi32>,
    %get3A_843 = vector.shape_cast %get3A_842 : vector<1x16xi32> to vector<16xi32>
    %add3A_844 = arith.constant 360 : i32
    %add3A_845 = vector.broadcast %add3A_844 : i32 to vector<16xi32>
    %add3A_846 = arith.addi %get3A_843, %add3A_845 : vector<16xi32>
    %swap3A_847 = arith.constant 7 : i32
    %swap3A_848 = arith.index_cast %swap3A_847 : i32 to index
    %swap3A_849 = arith.constant 64 : index
    %swap3A_850 = tpu.vector_load %arg5[%swap3A_848, %swap3A_849] {strides = array<i32>} : memref<8x128xi32, #tpu.memory_space<vmem>>, vector<1x16xi32>,
    %swap3A_851 = vector.shape_cast %swap3A_850 : vector<1x16xi32> to vector<16xi32>
    %swap3A_852 = vector.shape_cast %add3A_846 : vector<16xi32> to vector<1x16xi32>
    tpu.vector_store %arg5[%swap3A_848, %swap3A_849], %swap3A_852 {strides = array<i32>} : memref<8x128xi32, #tpu.memory_space<vmem>>, vector<1x16xi32>,
    %get3A_853 = arith.constant 7 : i32
    %get3A_854 = arith.index_cast %get3A_853 : i32 to index
    %get3A_855 = arith.constant 80 : index
    %get3A_856 = tpu.vector_load %arg5[%get3A_854, %get3A_855] {strides = array<i32>} : memref<8x128xi32, #tpu.memory_space<vmem>>, vector<1x16xi32>,
    %get3A_857 = vector.shape_cast %get3A_856 : vector<1x16xi32> to vector<16xi32>
    %add3A_858 = arith.constant 360 : i32
    %add3A_859 = vector.broadcast %add3A_858 : i32 to vector<16xi32>
    %add3A_860 = arith.addi %get3A_857, %add3A_859 : vector<16xi32>
    %swap3A_861 = arith.constant 7 : i32
    %swap3A_862 = arith.index_cast %swap3A_861 : i32 to index
    %swap3A_863 = arith.constant 80 : index
    %swap3A_864 = tpu.vector_load %arg5[%swap3A_862, %swap3A_863] {strides = array<i32>} : memref<8x128xi32, #tpu.memory_space<vmem>>, vector<1x16xi32>,
    %swap3A_865 = vector.shape_cast %swap3A_864 : vector<1x16xi32> to vector<16xi32>
    %swap3A_866 = vector.shape_cast %add3A_860 : vector<16xi32> to vector<1x16xi32>
    tpu.vector_store %arg5[%swap3A_862, %swap3A_863], %swap3A_866 {strides = array<i32>} : memref<8x128xi32, #tpu.memory_space<vmem>>, vector<1x16xi32>,
    %get3A_867 = arith.constant 7 : i32
    %get3A_868 = arith.index_cast %get3A_867 : i32 to index
    %get3A_869 = arith.constant 96 : index
    %get3A_870 = tpu.vector_load %arg5[%get3A_868, %get3A_869] {strides = array<i32>} : memref<8x128xi32, #tpu.memory_space<vmem>>, vector<1x16xi32>,
    %get3A_871 = vector.shape_cast %get3A_870 : vector<1x16xi32> to vector<16xi32>
    %add3A_872 = arith.constant 360 : i32
    %add3A_873 = vector.broadcast %add3A_872 : i32 to vector<16xi32>
    %add3A_874 = arith.addi %get3A_871, %add3A_873 : vector<16xi32>
    %swap3A_875 = arith.constant 7 : i32
    %swap3A_876 = arith.index_cast %swap3A_875 : i32 to index
    %swap3A_877 = arith.constant 96 : index
    %swap3A_878 = tpu.vector_load %arg5[%swap3A_876, %swap3A_877] {strides = array<i32>} : memref<8x128xi32, #tpu.memory_space<vmem>>, vector<1x16xi32>,
    %swap3A_879 = vector.shape_cast %swap3A_878 : vector<1x16xi32> to vector<16xi32>
    %swap3A_880 = vector.shape_cast %add3A_874 : vector<16xi32> to vector<1x16xi32>
    tpu.vector_store %arg5[%swap3A_876, %swap3A_877], %swap3A_880 {strides = array<i32>} : memref<8x128xi32, #tpu.memory_space<vmem>>, vector<1x16xi32>,
    %get3A_881 = arith.constant 7 : i32
    %get3A_882 = arith.index_cast %get3A_881 : i32 to index
    %get3A_883 = arith.constant 112 : index
    %get3A_884 = tpu.vector_load %arg5[%get3A_882, %get3A_883] {strides = array<i32>} : memref<8x128xi32, #tpu.memory_space<vmem>>, vector<1x16xi32>,
    %get3A_885 = vector.shape_cast %get3A_884 : vector<1x16xi32> to vector<16xi32>
    %add3A_886 = arith.constant 360 : i32
    %add3A_887 = vector.broadcast %add3A_886 : i32 to vector<16xi32>
    %add3A_888 = arith.addi %get3A_885, %add3A_887 : vector<16xi32>
    %swap3A_889 = arith.constant 7 : i32
    %swap3A_890 = arith.index_cast %swap3A_889 : i32 to index
    %swap3A_891 = arith.constant 112 : index
    %swap3A_892 = tpu.vector_load %arg5[%swap3A_890, %swap3A_891] {strides = array<i32>} : memref<8x128xi32, #tpu.memory_space<vmem>>, vector<1x16xi32>,
    %swap3A_893 = vector.shape_cast %swap3A_892 : vector<1x16xi32> to vector<16xi32>
    %swap3A_894 = vector.shape_cast %add3A_888 : vector<16xi32> to vector<1x16xi32>
    tpu.vector_store %arg5[%swap3A_890, %swap3A_891], %swap3A_894 {strides = array<i32>} : memref<8x128xi32, #tpu.memory_space<vmem>>, vector<1x16xi32>,
    %dma_start3A = arith.constant 0 : i32
    %dma_start3A_895 = arith.constant 0 : i32
    %dma_start3A_896 = arith.constant 0 : i32
    %dma_start3A_897 = arith.constant 0 : i32
    %dma_start3A_898 = tpu.memref_slice %arg6[%dma_start3A_895, %dma_start3A_896, %dma_start3A_897] : memref<8x128x16xf32, #tpu.memory_space<vmem>> -> memref<1x128x16xf32, #tpu.memory_space<vmem>>
    %dma_start3A_899 = tpu.memref_squeeze %dma_start3A_898 : memref<1x128x16xf32, #tpu.memory_space<vmem>> -> memref<128x16xf32, #tpu.memory_space<vmem>>
    %dma_start3A_900 = arith.constant 0 : i32
    %dma_start3A_901 = tpu.memref_slice %arg5[%dma_start3A, %dma_start3A_900] : memref<8x128xi32, #tpu.memory_space<vmem>> -> memref<1x128xi32, #tpu.memory_space<vmem>>
    %dma_start3A_902 = tpu.memref_squeeze %dma_start3A_901 : memref<1x128xi32, #tpu.memory_space<vmem>> -> memref<128xi32, #tpu.memory_space<vmem>>
    %dma_start3A_903 = arith.constant 0 : i32
    %dma_start3A_904 = arith.constant 0 : i32
    %dma_start3A_905 = tpu.memref_slice %arg3[%dma_start3A_903, %dma_start3A_904] : memref<4096x16xf32, #tpu.memory_space<hbm>> -> memref<4096x16xf32, #tpu.memory_space<hbm>>
    tpu.enqueue_indirect_dma source(%dma_start3A_905 : memref<4096x16xf32, #tpu.memory_space<hbm>>) target(%dma_start3A_899 : memref<128x16xf32, #tpu.memory_space<vmem>>) offsets(%dma_start3A_902 : memref<128xi32, #tpu.memory_space<vmem>>) semaphore(%arg7 : memref<!tpu.dma_semaphore, #tpu.memory_space<semaphore_mem>>)
    %dma_start3A_906 = arith.constant 1 : i32
    %dma_start3A_907 = arith.constant 1 : i32
    %dma_start3A_908 = arith.constant 0 : i32
    %dma_start3A_909 = arith.constant 0 : i32
    %dma_start3A_910 = tpu.memref_slice %arg6[%dma_start3A_907, %dma_start3A_908, %dma_start3A_909] : memref<8x128x16xf32, #tpu.memory_space<vmem>> -> memref<1x128x16xf32, #tpu.memory_space<vmem>>
    %dma_start3A_911 = tpu.memref_squeeze %dma_start3A_910 : memref<1x128x16xf32, #tpu.memory_space<vmem>> -> memref<128x16xf32, #tpu.memory_space<vmem>>
    %dma_start3A_912 = arith.constant 0 : i32
    %dma_start3A_913 = tpu.memref_slice %arg5[%dma_start3A_906, %dma_start3A_912] : memref<8x128xi32, #tpu.memory_space<vmem>> -> memref<1x128xi32, #tpu.memory_space<vmem>>
    %dma_start3A_914 = tpu.memref_squeeze %dma_start3A_913 : memref<1x128xi32, #tpu.memory_space<vmem>> -> memref<128xi32, #tpu.memory_space<vmem>>
    %dma_start3A_915 = arith.constant 0 : i32
    %dma_start3A_916 = arith.constant 0 : i32
    %dma_start3A_917 = tpu.memref_slice %arg3[%dma_start3A_915, %dma_start3A_916] : memref<4096x16xf32, #tpu.memory_space<hbm>> -> memref<4096x16xf32, #tpu.memory_space<hbm>>
    tpu.enqueue_indirect_dma source(%dma_start3A_917 : memref<4096x16xf32, #tpu.memory_space<hbm>>) target(%dma_start3A_911 : memref<128x16xf32, #tpu.memory_space<vmem>>) offsets(%dma_start3A_914 : memref<128xi32, #tpu.memory_space<vmem>>) semaphore(%arg7 : memref<!tpu.dma_semaphore, #tpu.memory_space<semaphore_mem>>)
    %dma_start3A_918 = arith.constant 2 : i32
    %dma_start3A_919 = arith.constant 2 : i32
    %dma_start3A_920 = arith.constant 0 : i32
    %dma_start3A_921 = arith.constant 0 : i32
    %dma_start3A_922 = tpu.memref_slice %arg6[%dma_start3A_919, %dma_start3A_920, %dma_start3A_921] : memref<8x128x16xf32, #tpu.memory_space<vmem>> -> memref<1x128x16xf32, #tpu.memory_space<vmem>>
    %dma_start3A_923 = tpu.memref_squeeze %dma_start3A_922 : memref<1x128x16xf32, #tpu.memory_space<vmem>> -> memref<128x16xf32, #tpu.memory_space<vmem>>
    %dma_start3A_924 = arith.constant 0 : i32
    %dma_start3A_925 = tpu.memref_slice %arg5[%dma_start3A_918, %dma_start3A_924] : memref<8x128xi32, #tpu.memory_space<vmem>> -> memref<1x128xi32, #tpu.memory_space<vmem>>
    %dma_start3A_926 = tpu.memref_squeeze %dma_start3A_925 : memref<1x128xi32, #tpu.memory_space<vmem>> -> memref<128xi32, #tpu.memory_space<vmem>>
    %dma_start3A_927 = arith.constant 0 : i32
    %dma_start3A_928 = arith.constant 0 : i32
    %dma_start3A_929 = tpu.memref_slice %arg3[%dma_start3A_927, %dma_start3A_928] : memref<4096x16xf32, #tpu.memory_space<hbm>> -> memref<4096x16xf32, #tpu.memory_space<hbm>>
    tpu.enqueue_indirect_dma source(%dma_start3A_929 : memref<4096x16xf32, #tpu.memory_space<hbm>>) target(%dma_start3A_923 : memref<128x16xf32, #tpu.memory_space<vmem>>) offsets(%dma_start3A_926 : memref<128xi32, #tpu.memory_space<vmem>>) semaphore(%arg7 : memref<!tpu.dma_semaphore, #tpu.memory_space<semaphore_mem>>)
    %dma_start3A_930 = arith.constant 3 : i32
    %dma_start3A_931 = arith.constant 3 : i32
    %dma_start3A_932 = arith.constant 0 : i32
    %dma_start3A_933 = arith.constant 0 : i32
    %dma_start3A_934 = tpu.memref_slice %arg6[%dma_start3A_931, %dma_start3A_932, %dma_start3A_933] : memref<8x128x16xf32, #tpu.memory_space<vmem>> -> memref<1x128x16xf32, #tpu.memory_space<vmem>>
    %dma_start3A_935 = tpu.memref_squeeze %dma_start3A_934 : memref<1x128x16xf32, #tpu.memory_space<vmem>> -> memref<128x16xf32, #tpu.memory_space<vmem>>
    %dma_start3A_936 = arith.constant 0 : i32
    %dma_start3A_937 = tpu.memref_slice %arg5[%dma_start3A_930, %dma_start3A_936] : memref<8x128xi32, #tpu.memory_space<vmem>> -> memref<1x128xi32, #tpu.memory_space<vmem>>
    %dma_start3A_938 = tpu.memref_squeeze %dma_start3A_937 : memref<1x128xi32, #tpu.memory_space<vmem>> -> memref<128xi32, #tpu.memory_space<vmem>>
    %dma_start3A_939 = arith.constant 0 : i32
    %dma_start3A_940 = arith.constant 0 : i32
    %dma_start3A_941 = tpu.memref_slice %arg3[%dma_start3A_939, %dma_start3A_940] : memref<4096x16xf32, #tpu.memory_space<hbm>> -> memref<4096x16xf32, #tpu.memory_space<hbm>>
    tpu.enqueue_indirect_dma source(%dma_start3A_941 : memref<4096x16xf32, #tpu.memory_space<hbm>>) target(%dma_start3A_935 : memref<128x16xf32, #tpu.memory_space<vmem>>) offsets(%dma_start3A_938 : memref<128xi32, #tpu.memory_space<vmem>>) semaphore(%arg7 : memref<!tpu.dma_semaphore, #tpu.memory_space<semaphore_mem>>)
    %dma_start3A_942 = arith.constant 4 : i32
    %dma_start3A_943 = arith.constant 4 : i32
    %dma_start3A_944 = arith.constant 0 : i32
    %dma_start3A_945 = arith.constant 0 : i32
    %dma_start3A_946 = tpu.memref_slice %arg6[%dma_start3A_943, %dma_start3A_944, %dma_start3A_945] : memref<8x128x16xf32, #tpu.memory_space<vmem>> -> memref<1x128x16xf32, #tpu.memory_space<vmem>>
    %dma_start3A_947 = tpu.memref_squeeze %dma_start3A_946 : memref<1x128x16xf32, #tpu.memory_space<vmem>> -> memref<128x16xf32, #tpu.memory_space<vmem>>
    %dma_start3A_948 = arith.constant 0 : i32
    %dma_start3A_949 = tpu.memref_slice %arg5[%dma_start3A_942, %dma_start3A_948] : memref<8x128xi32, #tpu.memory_space<vmem>> -> memref<1x128xi32, #tpu.memory_space<vmem>>
    %dma_start3A_950 = tpu.memref_squeeze %dma_start3A_949 : memref<1x128xi32, #tpu.memory_space<vmem>> -> memref<128xi32, #tpu.memory_space<vmem>>
    %dma_start3A_951 = arith.constant 0 : i32
    %dma_start3A_952 = arith.constant 0 : i32
    %dma_start3A_953 = tpu.memref_slice %arg3[%dma_start3A_951, %dma_start3A_952] : memref<4096x16xf32, #tpu.memory_space<hbm>> -> memref<4096x16xf32, #tpu.memory_space<hbm>>
    tpu.enqueue_indirect_dma source(%dma_start3A_953 : memref<4096x16xf32, #tpu.memory_space<hbm>>) target(%dma_start3A_947 : memref<128x16xf32, #tpu.memory_space<vmem>>) offsets(%dma_start3A_950 : memref<128xi32, #tpu.memory_space<vmem>>) semaphore(%arg7 : memref<!tpu.dma_semaphore, #tpu.memory_space<semaphore_mem>>)
    %dma_start3A_954 = arith.constant 5 : i32
    %dma_start3A_955 = arith.constant 5 : i32
    %dma_start3A_956 = arith.constant 0 : i32
    %dma_start3A_957 = arith.constant 0 : i32
    %dma_start3A_958 = tpu.memref_slice %arg6[%dma_start3A_955, %dma_start3A_956, %dma_start3A_957] : memref<8x128x16xf32, #tpu.memory_space<vmem>> -> memref<1x128x16xf32, #tpu.memory_space<vmem>>
    %dma_start3A_959 = tpu.memref_squeeze %dma_start3A_958 : memref<1x128x16xf32, #tpu.memory_space<vmem>> -> memref<128x16xf32, #tpu.memory_space<vmem>>
    %dma_start3A_960 = arith.constant 0 : i32
    %dma_start3A_961 = tpu.memref_slice %arg5[%dma_start3A_954, %dma_start3A_960] : memref<8x128xi32, #tpu.memory_space<vmem>> -> memref<1x128xi32, #tpu.memory_space<vmem>>
    %dma_start3A_962 = tpu.memref_squeeze %dma_start3A_961 : memref<1x128xi32, #tpu.memory_space<vmem>> -> memref<128xi32, #tpu.memory_space<vmem>>
    %dma_start3A_963 = arith.constant 0 : i32
    %dma_start3A_964 = arith.constant 0 : i32
    %dma_start3A_965 = tpu.memref_slice %arg3[%dma_start3A_963, %dma_start3A_964] : memref<4096x16xf32, #tpu.memory_space<hbm>> -> memref<4096x16xf32, #tpu.memory_space<hbm>>
    tpu.enqueue_indirect_dma source(%dma_start3A_965 : memref<4096x16xf32, #tpu.memory_space<hbm>>) target(%dma_start3A_959 : memref<128x16xf32, #tpu.memory_space<vmem>>) offsets(%dma_start3A_962 : memref<128xi32, #tpu.memory_space<vmem>>) semaphore(%arg7 : memref<!tpu.dma_semaphore, #tpu.memory_space<semaphore_mem>>)
    %dma_start3A_966 = arith.constant 6 : i32
    %dma_start3A_967 = arith.constant 6 : i32
    %dma_start3A_968 = arith.constant 0 : i32
    %dma_start3A_969 = arith.constant 0 : i32
    %dma_start3A_970 = tpu.memref_slice %arg6[%dma_start3A_967, %dma_start3A_968, %dma_start3A_969] : memref<8x128x16xf32, #tpu.memory_space<vmem>> -> memref<1x128x16xf32, #tpu.memory_space<vmem>>
    %dma_start3A_971 = tpu.memref_squeeze %dma_start3A_970 : memref<1x128x16xf32, #tpu.memory_space<vmem>> -> memref<128x16xf32, #tpu.memory_space<vmem>>
    %dma_start3A_972 = arith.constant 0 : i32
    %dma_start3A_973 = tpu.memref_slice %arg5[%dma_start3A_966, %dma_start3A_972] : memref<8x128xi32, #tpu.memory_space<vmem>> -> memref<1x128xi32, #tpu.memory_space<vmem>>
    %dma_start3A_974 = tpu.memref_squeeze %dma_start3A_973 : memref<1x128xi32, #tpu.memory_space<vmem>> -> memref<128xi32, #tpu.memory_space<vmem>>
    %dma_start3A_975 = arith.constant 0 : i32
    %dma_start3A_976 = arith.constant 0 : i32
    %dma_start3A_977 = tpu.memref_slice %arg3[%dma_start3A_975, %dma_start3A_976] : memref<4096x16xf32, #tpu.memory_space<hbm>> -> memref<4096x16xf32, #tpu.memory_space<hbm>>
    tpu.enqueue_indirect_dma source(%dma_start3A_977 : memref<4096x16xf32, #tpu.memory_space<hbm>>) target(%dma_start3A_971 : memref<128x16xf32, #tpu.memory_space<vmem>>) offsets(%dma_start3A_974 : memref<128xi32, #tpu.memory_space<vmem>>) semaphore(%arg7 : memref<!tpu.dma_semaphore, #tpu.memory_space<semaphore_mem>>)
    %dma_start3A_978 = arith.constant 7 : i32
    %dma_start3A_979 = arith.constant 7 : i32
    %dma_start3A_980 = arith.constant 0 : i32
    %dma_start3A_981 = arith.constant 0 : i32
    %dma_start3A_982 = tpu.memref_slice %arg6[%dma_start3A_979, %dma_start3A_980, %dma_start3A_981] : memref<8x128x16xf32, #tpu.memory_space<vmem>> -> memref<1x128x16xf32, #tpu.memory_space<vmem>>
    %dma_start3A_983 = tpu.memref_squeeze %dma_start3A_982 : memref<1x128x16xf32, #tpu.memory_space<vmem>> -> memref<128x16xf32, #tpu.memory_space<vmem>>
    %dma_start3A_984 = arith.constant 0 : i32
    %dma_start3A_985 = tpu.memref_slice %arg5[%dma_start3A_978, %dma_start3A_984] : memref<8x128xi32, #tpu.memory_space<vmem>> -> memref<1x128xi32, #tpu.memory_space<vmem>>
    %dma_start3A_986 = tpu.memref_squeeze %dma_start3A_985 : memref<1x128xi32, #tpu.memory_space<vmem>> -> memref<128xi32, #tpu.memory_space<vmem>>
    %dma_start3A_987 = arith.constant 0 : i32
    %dma_start3A_988 = arith.constant 0 : i32
    %dma_start3A_989 = tpu.memref_slice %arg3[%dma_start3A_987, %dma_start3A_988] : memref<4096x16xf32, #tpu.memory_space<hbm>> -> memref<4096x16xf32, #tpu.memory_space<hbm>>
    tpu.enqueue_indirect_dma source(%dma_start3A_989 : memref<4096x16xf32, #tpu.memory_space<hbm>>) target(%dma_start3A_983 : memref<128x16xf32, #tpu.memory_space<vmem>>) offsets(%dma_start3A_986 : memref<128xi32, #tpu.memory_space<vmem>>) semaphore(%arg7 : memref<!tpu.dma_semaphore, #tpu.memory_space<semaphore_mem>>)
    %dma_wait3A = arith.constant 0 : i32
    %dma_wait3A_990 = arith.constant 0 : i32
    %dma_wait3A_991 = arith.constant 0 : i32
    %dma_wait3A_992 = arith.constant 0 : i32
    %dma_wait3A_993 = tpu.memref_slice %arg6[%dma_wait3A_990, %dma_wait3A_991, %dma_wait3A_992] : memref<8x128x16xf32, #tpu.memory_space<vmem>> -> memref<1x128x16xf32, #tpu.memory_space<vmem>>
    %dma_wait3A_994 = tpu.memref_squeeze %dma_wait3A_993 : memref<1x128x16xf32, #tpu.memory_space<vmem>> -> memref<128x16xf32, #tpu.memory_space<vmem>>
    %dma_wait3A_995 = arith.constant 0 : i32
    %dma_wait3A_996 = tpu.memref_slice %arg5[%dma_wait3A, %dma_wait3A_995] : memref<8x128xi32, #tpu.memory_space<vmem>> -> memref<1x128xi32, #tpu.memory_space<vmem>>
    %dma_wait3A_997 = tpu.memref_squeeze %dma_wait3A_996 : memref<1x128xi32, #tpu.memory_space<vmem>> -> memref<128xi32, #tpu.memory_space<vmem>>
    %dma_wait3A_998 = arith.constant 0 : i32
    %dma_wait3A_999 = arith.constant 0 : i32
    %dma_wait3A_1000 = tpu.memref_slice %arg3[%dma_wait3A_998, %dma_wait3A_999] : memref<4096x16xf32, #tpu.memory_space<hbm>> -> memref<4096x16xf32, #tpu.memory_space<hbm>>
    tpu.wait_indirect_dma semaphore(%arg7 : memref<!tpu.dma_semaphore, #tpu.memory_space<semaphore_mem>>) src(%dma_wait3A_1000 : memref<4096x16xf32, #tpu.memory_space<hbm>>) dst(%dma_wait3A_994 : memref<128x16xf32, #tpu.memory_space<vmem>>)
    %dma_wait3A_1001 = arith.constant 1 : i32
    %dma_wait3A_1002 = arith.constant 1 : i32
    %dma_wait3A_1003 = arith.constant 0 : i32
    %dma_wait3A_1004 = arith.constant 0 : i32
    %dma_wait3A_1005 = tpu.memref_slice %arg6[%dma_wait3A_1002, %dma_wait3A_1003, %dma_wait3A_1004] : memref<8x128x16xf32, #tpu.memory_space<vmem>> -> memref<1x128x16xf32, #tpu.memory_space<vmem>>
    %dma_wait3A_1006 = tpu.memref_squeeze %dma_wait3A_1005 : memref<1x128x16xf32, #tpu.memory_space<vmem>> -> memref<128x16xf32, #tpu.memory_space<vmem>>
    %dma_wait3A_1007 = arith.constant 0 : i32
    %dma_wait3A_1008 = tpu.memref_slice %arg5[%dma_wait3A_1001, %dma_wait3A_1007] : memref<8x128xi32, #tpu.memory_space<vmem>> -> memref<1x128xi32, #tpu.memory_space<vmem>>
    %dma_wait3A_1009 = tpu.memref_squeeze %dma_wait3A_1008 : memref<1x128xi32, #tpu.memory_space<vmem>> -> memref<128xi32, #tpu.memory_space<vmem>>
    %dma_wait3A_1010 = arith.constant 0 : i32
    %dma_wait3A_1011 = arith.constant 0 : i32
    %dma_wait3A_1012 = tpu.memref_slice %arg3[%dma_wait3A_1010, %dma_wait3A_1011] : memref<4096x16xf32, #tpu.memory_space<hbm>> -> memref<4096x16xf32, #tpu.memory_space<hbm>>
    tpu.wait_indirect_dma semaphore(%arg7 : memref<!tpu.dma_semaphore, #tpu.memory_space<semaphore_mem>>) src(%dma_wait3A_1012 : memref<4096x16xf32, #tpu.memory_space<hbm>>) dst(%dma_wait3A_1006 : memref<128x16xf32, #tpu.memory_space<vmem>>)
    %dma_wait3A_1013 = arith.constant 2 : i32
    %dma_wait3A_1014 = arith.constant 2 : i32
    %dma_wait3A_1015 = arith.constant 0 : i32
    %dma_wait3A_1016 = arith.constant 0 : i32
    %dma_wait3A_1017 = tpu.memref_slice %arg6[%dma_wait3A_1014, %dma_wait3A_1015, %dma_wait3A_1016] : memref<8x128x16xf32, #tpu.memory_space<vmem>> -> memref<1x128x16xf32, #tpu.memory_space<vmem>>
    %dma_wait3A_1018 = tpu.memref_squeeze %dma_wait3A_1017 : memref<1x128x16xf32, #tpu.memory_space<vmem>> -> memref<128x16xf32, #tpu.memory_space<vmem>>
    %dma_wait3A_1019 = arith.constant 0 : i32
    %dma_wait3A_1020 = tpu.memref_slice %arg5[%dma_wait3A_1013, %dma_wait3A_1019] : memref<8x128xi32, #tpu.memory_space<vmem>> -> memref<1x128xi32, #tpu.memory_space<vmem>>
    %dma_wait3A_1021 = tpu.memref_squeeze %dma_wait3A_1020 : memref<1x128xi32, #tpu.memory_space<vmem>> -> memref<128xi32, #tpu.memory_space<vmem>>
    %dma_wait3A_1022 = arith.constant 0 : i32
    %dma_wait3A_1023 = arith.constant 0 : i32
    %dma_wait3A_1024 = tpu.memref_slice %arg3[%dma_wait3A_1022, %dma_wait3A_1023] : memref<4096x16xf32, #tpu.memory_space<hbm>> -> memref<4096x16xf32, #tpu.memory_space<hbm>>
    tpu.wait_indirect_dma semaphore(%arg7 : memref<!tpu.dma_semaphore, #tpu.memory_space<semaphore_mem>>) src(%dma_wait3A_1024 : memref<4096x16xf32, #tpu.memory_space<hbm>>) dst(%dma_wait3A_1018 : memref<128x16xf32, #tpu.memory_space<vmem>>)
    %dma_wait3A_1025 = arith.constant 3 : i32
    %dma_wait3A_1026 = arith.constant 3 : i32
    %dma_wait3A_1027 = arith.constant 0 : i32
    %dma_wait3A_1028 = arith.constant 0 : i32
    %dma_wait3A_1029 = tpu.memref_slice %arg6[%dma_wait3A_1026, %dma_wait3A_1027, %dma_wait3A_1028] : memref<8x128x16xf32, #tpu.memory_space<vmem>> -> memref<1x128x16xf32, #tpu.memory_space<vmem>>
    %dma_wait3A_1030 = tpu.memref_squeeze %dma_wait3A_1029 : memref<1x128x16xf32, #tpu.memory_space<vmem>> -> memref<128x16xf32, #tpu.memory_space<vmem>>
    %dma_wait3A_1031 = arith.constant 0 : i32
    %dma_wait3A_1032 = tpu.memref_slice %arg5[%dma_wait3A_1025, %dma_wait3A_1031] : memref<8x128xi32, #tpu.memory_space<vmem>> -> memref<1x128xi32, #tpu.memory_space<vmem>>
    %dma_wait3A_1033 = tpu.memref_squeeze %dma_wait3A_1032 : memref<1x128xi32, #tpu.memory_space<vmem>> -> memref<128xi32, #tpu.memory_space<vmem>>
    %dma_wait3A_1034 = arith.constant 0 : i32
    %dma_wait3A_1035 = arith.constant 0 : i32
    %dma_wait3A_1036 = tpu.memref_slice %arg3[%dma_wait3A_1034, %dma_wait3A_1035] : memref<4096x16xf32, #tpu.memory_space<hbm>> -> memref<4096x16xf32, #tpu.memory_space<hbm>>
    tpu.wait_indirect_dma semaphore(%arg7 : memref<!tpu.dma_semaphore, #tpu.memory_space<semaphore_mem>>) src(%dma_wait3A_1036 : memref<4096x16xf32, #tpu.memory_space<hbm>>) dst(%dma_wait3A_1030 : memref<128x16xf32, #tpu.memory_space<vmem>>)
    %dma_wait3A_1037 = arith.constant 4 : i32
    %dma_wait3A_1038 = arith.constant 4 : i32
    %dma_wait3A_1039 = arith.constant 0 : i32
    %dma_wait3A_1040 = arith.constant 0 : i32
    %dma_wait3A_1041 = tpu.memref_slice %arg6[%dma_wait3A_1038, %dma_wait3A_1039, %dma_wait3A_1040] : memref<8x128x16xf32, #tpu.memory_space<vmem>> -> memref<1x128x16xf32, #tpu.memory_space<vmem>>
    %dma_wait3A_1042 = tpu.memref_squeeze %dma_wait3A_1041 : memref<1x128x16xf32, #tpu.memory_space<vmem>> -> memref<128x16xf32, #tpu.memory_space<vmem>>
    %dma_wait3A_1043 = arith.constant 0 : i32
    %dma_wait3A_1044 = tpu.memref_slice %arg5[%dma_wait3A_1037, %dma_wait3A_1043] : memref<8x128xi32, #tpu.memory_space<vmem>> -> memref<1x128xi32, #tpu.memory_space<vmem>>
    %dma_wait3A_1045 = tpu.memref_squeeze %dma_wait3A_1044 : memref<1x128xi32, #tpu.memory_space<vmem>> -> memref<128xi32, #tpu.memory_space<vmem>>
    %dma_wait3A_1046 = arith.constant 0 : i32
    %dma_wait3A_1047 = arith.constant 0 : i32
    %dma_wait3A_1048 = tpu.memref_slice %arg3[%dma_wait3A_1046, %dma_wait3A_1047] : memref<4096x16xf32, #tpu.memory_space<hbm>> -> memref<4096x16xf32, #tpu.memory_space<hbm>>
    tpu.wait_indirect_dma semaphore(%arg7 : memref<!tpu.dma_semaphore, #tpu.memory_space<semaphore_mem>>) src(%dma_wait3A_1048 : memref<4096x16xf32, #tpu.memory_space<hbm>>) dst(%dma_wait3A_1042 : memref<128x16xf32, #tpu.memory_space<vmem>>)
    %dma_wait3A_1049 = arith.constant 5 : i32
    %dma_wait3A_1050 = arith.constant 5 : i32
    %dma_wait3A_1051 = arith.constant 0 : i32
    %dma_wait3A_1052 = arith.constant 0 : i32
    %dma_wait3A_1053 = tpu.memref_slice %arg6[%dma_wait3A_1050, %dma_wait3A_1051, %dma_wait3A_1052] : memref<8x128x16xf32, #tpu.memory_space<vmem>> -> memref<1x128x16xf32, #tpu.memory_space<vmem>>
    %dma_wait3A_1054 = tpu.memref_squeeze %dma_wait3A_1053 : memref<1x128x16xf32, #tpu.memory_space<vmem>> -> memref<128x16xf32, #tpu.memory_space<vmem>>
    %dma_wait3A_1055 = arith.constant 0 : i32
    %dma_wait3A_1056 = tpu.memref_slice %arg5[%dma_wait3A_1049, %dma_wait3A_1055] : memref<8x128xi32, #tpu.memory_space<vmem>> -> memref<1x128xi32, #tpu.memory_space<vmem>>
    %dma_wait3A_1057 = tpu.memref_squeeze %dma_wait3A_1056 : memref<1x128xi32, #tpu.memory_space<vmem>> -> memref<128xi32, #tpu.memory_space<vmem>>
    %dma_wait3A_1058 = arith.constant 0 : i32
    %dma_wait3A_1059 = arith.constant 0 : i32
    %dma_wait3A_1060 = tpu.memref_slice %arg3[%dma_wait3A_1058, %dma_wait3A_1059] : memref<4096x16xf32, #tpu.memory_space<hbm>> -> memref<4096x16xf32, #tpu.memory_space<hbm>>
    tpu.wait_indirect_dma semaphore(%arg7 : memref<!tpu.dma_semaphore, #tpu.memory_space<semaphore_mem>>) src(%dma_wait3A_1060 : memref<4096x16xf32, #tpu.memory_space<hbm>>) dst(%dma_wait3A_1054 : memref<128x16xf32, #tpu.memory_space<vmem>>)
    %dma_wait3A_1061 = arith.constant 6 : i32
    %dma_wait3A_1062 = arith.constant 6 : i32
    %dma_wait3A_1063 = arith.constant 0 : i32
    %dma_wait3A_1064 = arith.constant 0 : i32
    %dma_wait3A_1065 = tpu.memref_slice %arg6[%dma_wait3A_1062, %dma_wait3A_1063, %dma_wait3A_1064] : memref<8x128x16xf32, #tpu.memory_space<vmem>> -> memref<1x128x16xf32, #tpu.memory_space<vmem>>
    %dma_wait3A_1066 = tpu.memref_squeeze %dma_wait3A_1065 : memref<1x128x16xf32, #tpu.memory_space<vmem>> -> memref<128x16xf32, #tpu.memory_space<vmem>>
    %dma_wait3A_1067 = arith.constant 0 : i32
    %dma_wait3A_1068 = tpu.memref_slice %arg5[%dma_wait3A_1061, %dma_wait3A_1067] : memref<8x128xi32, #tpu.memory_space<vmem>> -> memref<1x128xi32, #tpu.memory_space<vmem>>
    %dma_wait3A_1069 = tpu.memref_squeeze %dma_wait3A_1068 : memref<1x128xi32, #tpu.memory_space<vmem>> -> memref<128xi32, #tpu.memory_space<vmem>>
    %dma_wait3A_1070 = arith.constant 0 : i32
    %dma_wait3A_1071 = arith.constant 0 : i32
    %dma_wait3A_1072 = tpu.memref_slice %arg3[%dma_wait3A_1070, %dma_wait3A_1071] : memref<4096x16xf32, #tpu.memory_space<hbm>> -> memref<4096x16xf32, #tpu.memory_space<hbm>>
    tpu.wait_indirect_dma semaphore(%arg7 : memref<!tpu.dma_semaphore, #tpu.memory_space<semaphore_mem>>) src(%dma_wait3A_1072 : memref<4096x16xf32, #tpu.memory_space<hbm>>) dst(%dma_wait3A_1066 : memref<128x16xf32, #tpu.memory_space<vmem>>)
    %dma_wait3A_1073 = arith.constant 7 : i32
    %dma_wait3A_1074 = arith.constant 7 : i32
    %dma_wait3A_1075 = arith.constant 0 : i32
    %dma_wait3A_1076 = arith.constant 0 : i32
    %dma_wait3A_1077 = tpu.memref_slice %arg6[%dma_wait3A_1074, %dma_wait3A_1075, %dma_wait3A_1076] : memref<8x128x16xf32, #tpu.memory_space<vmem>> -> memref<1x128x16xf32, #tpu.memory_space<vmem>>
    %dma_wait3A_1078 = tpu.memref_squeeze %dma_wait3A_1077 : memref<1x128x16xf32, #tpu.memory_space<vmem>> -> memref<128x16xf32, #tpu.memory_space<vmem>>
    %dma_wait3A_1079 = arith.constant 0 : i32
    %dma_wait3A_1080 = tpu.memref_slice %arg5[%dma_wait3A_1073, %dma_wait3A_1079] : memref<8x128xi32, #tpu.memory_space<vmem>> -> memref<1x128xi32, #tpu.memory_space<vmem>>
    %dma_wait3A_1081 = tpu.memref_squeeze %dma_wait3A_1080 : memref<1x128xi32, #tpu.memory_space<vmem>> -> memref<128xi32, #tpu.memory_space<vmem>>
    %dma_wait3A_1082 = arith.constant 0 : i32
    %dma_wait3A_1083 = arith.constant 0 : i32
    %dma_wait3A_1084 = tpu.memref_slice %arg3[%dma_wait3A_1082, %dma_wait3A_1083] : memref<4096x16xf32, #tpu.memory_space<hbm>> -> memref<4096x16xf32, #tpu.memory_space<hbm>>
    tpu.wait_indirect_dma semaphore(%arg7 : memref<!tpu.dma_semaphore, #tpu.memory_space<semaphore_mem>>) src(%dma_wait3A_1084 : memref<4096x16xf32, #tpu.memory_space<hbm>>) dst(%dma_wait3A_1078 : memref<128x16xf32, #tpu.memory_space<vmem>>)
    "tpu.region"() ({
      %run_scoped3A = tpu.sem_alloc : memref<!tpu.dma_semaphore, #tpu.memory_space<semaphore_mem>>
      %dma_start3A_1085 = arith.constant 0 : i32
      %dma_start3A_1086 = arith.constant 0 : i32
      %dma_start3A_1087 = arith.constant 0 : i32
      %dma_start3A_1088 = tpu.memref_slice %arg4[%add3A, %dma_start3A_1085, %dma_start3A_1086, %dma_start3A_1087] : memref<32x8x128x16xf32, #tpu.memory_space<hbm>> -> memref<1x8x128x16xf32, #tpu.memory_space<hbm>>
      %dma_start3A_1089 = tpu.memref_squeeze %dma_start3A_1088 : memref<1x8x128x16xf32, #tpu.memory_space<hbm>> -> memref<8x128x16xf32, #tpu.memory_space<hbm>>
      %dma_start3A_1090 = arith.constant 0 : i32
      %dma_start3A_1091 = arith.constant 0 : i32
      %dma_start3A_1092 = arith.constant 0 : i32
      %dma_start3A_1093 = tpu.memref_slice %arg4[%add3A, %dma_start3A_1090, %dma_start3A_1091, %dma_start3A_1092] : memref<32x8x128x16xf32, #tpu.memory_space<hbm>> -> memref<1x8x128x16xf32, #tpu.memory_space<hbm>>
      %dma_start3A_1094 = tpu.memref_squeeze %dma_start3A_1093 : memref<1x8x128x16xf32, #tpu.memory_space<hbm>> -> memref<8x128x16xf32, #tpu.memory_space<hbm>>
      tpu.enqueue_dma source(%arg6 : memref<8x128x16xf32, #tpu.memory_space<vmem>>) target(%dma_start3A_1094 : memref<8x128x16xf32, #tpu.memory_space<hbm>>) target_semaphore(%run_scoped3A : memref<!tpu.dma_semaphore, #tpu.memory_space<semaphore_mem>>)
      %dma_wait3A_1095 = arith.constant 0 : i32
      %dma_wait3A_1096 = arith.constant 0 : i32
      %dma_wait3A_1097 = arith.constant 0 : i32
      %dma_wait3A_1098 = tpu.memref_slice %arg4[%add3A, %dma_wait3A_1095, %dma_wait3A_1096, %dma_wait3A_1097] : memref<32x8x128x16xf32, #tpu.memory_space<hbm>> -> memref<1x8x128x16xf32, #tpu.memory_space<hbm>>
      %dma_wait3A_1099 = tpu.memref_squeeze %dma_wait3A_1098 : memref<1x8x128x16xf32, #tpu.memory_space<hbm>> -> memref<8x128x16xf32, #tpu.memory_space<hbm>>
      %dma_wait3A_1100 = arith.constant 0 : i32
      %dma_wait3A_1101 = arith.constant 0 : i32
      %dma_wait3A_1102 = arith.constant 0 : i32
      %dma_wait3A_1103 = tpu.memref_slice %arg4[%add3A, %dma_wait3A_1100, %dma_wait3A_1101, %dma_wait3A_1102] : memref<32x8x128x16xf32, #tpu.memory_space<hbm>> -> memref<1x8x128x16xf32, #tpu.memory_space<hbm>>
      %dma_wait3A_1104 = tpu.memref_squeeze %dma_wait3A_1103 : memref<1x8x128x16xf32, #tpu.memory_space<hbm>> -> memref<8x128x16xf32, #tpu.memory_space<hbm>>
      tpu.wait_dma2 semaphore(%run_scoped3A : memref<!tpu.dma_semaphore, #tpu.memory_space<semaphore_mem>>) src(%arg6 : memref<8x128x16xf32, #tpu.memory_space<vmem>>) dst(%dma_wait3A_1104 : memref<8x128x16xf32, #tpu.memory_space<hbm>>)
      tpu.yield
    }) : () -> ()
    return
  }
}

module attributes {stable_mosaic.version = 14 : i64} {
  func.func @_assemble_body(%arg0: i32, %arg1: memref<1x1024x8xf32, #tpu.memory_space<vmem>>, %arg2: memref<1x1024x8xf32, #tpu.memory_space<vmem>>, %arg3: memref<1x12x8xf32, #tpu.memory_space<vmem>>, %arg4: memref<1x12x1xf32, #tpu.memory_space<vmem>>, %arg5: memref<1x12x1xf32, #tpu.memory_space<vmem>>, %arg6: memref<1x1024x16xf32, #tpu.memory_space<vmem>>, %arg7: memref<1x12x1024x50xf32, #tpu.memory_space<vmem>>) attributes {dimension_semantics = [#tpu.dimension_semantics<arbitrary>], iteration_bounds = array<i64: 32>, scalar_prefetch = 0 : i64, scratch_operands = 0 : i64, tpu.core_type = #tpu.core_type<tc>, window_params = [{transform_indices = @transform_0, window_bounds = array<i64: 1, 1024, 8>}, {transform_indices = @transform_1, window_bounds = array<i64: 1, 1024, 8>}, {transform_indices = @transform_2, window_bounds = array<i64: 1, 12, 8>}, {transform_indices = @transform_3, window_bounds = array<i64: 1, 12, 1>}, {transform_indices = @transform_4, window_bounds = array<i64: 1, 12, 1>}, {transform_indices = @transform_5, window_bounds = array<i64: 1, 1024, 16>}, {transform_indices = @transform_6, window_bounds = array<i64: 1, 12, 1024, 50>}]} {
    %get3A = arith.constant 0 : index
    %get3A_0 = arith.constant 0 : index
    %get3A_1 = arith.constant 0 : index
    %get3A_2 = vector.load %arg1[%get3A, %get3A_0, %get3A_1] : memref<1x1024x8xf32, #tpu.memory_space<vmem>>, vector<1x1024x8xf32>
    %get3A_3 = vector.shape_cast %get3A_2 : vector<1x1024x8xf32> to vector<1024x8xf32>
    %get3A_4 = arith.constant 0 : index
    %get3A_5 = arith.constant 0 : index
    %get3A_6 = arith.constant 0 : index
    %get3A_7 = vector.load %arg2[%get3A_4, %get3A_5, %get3A_6] : memref<1x1024x8xf32, #tpu.memory_space<vmem>>, vector<1x1024x8xf32>
    %get3A_8 = vector.shape_cast %get3A_7 : vector<1x1024x8xf32> to vector<1024x8xf32>
    %get3A_9 = arith.constant 0 : index
    %get3A_10 = arith.constant 0 : index
    %get3A_11 = arith.constant 0 : index
    %get3A_12 = vector.load %arg6[%get3A_9, %get3A_10, %get3A_11] : memref<1x1024x16xf32, #tpu.memory_space<vmem>>, vector<1x1024x16xf32>
    %get3A_13 = vector.shape_cast %get3A_12 : vector<1x1024x16xf32> to vector<1024x16xf32>
    %get3A_14 = arith.constant 0 : index
    %get3A_15 = arith.constant 0 : index
    %get3A_16 = arith.constant 0 : index
    %get3A_17 = vector.load %arg3[%get3A_14, %get3A_15, %get3A_16] : memref<1x12x8xf32, #tpu.memory_space<vmem>>, vector<1x12x8xf32>
    %get3A_18 = vector.shape_cast %get3A_17 : vector<1x12x8xf32> to vector<12x8xf32>
    %get3A_19 = arith.constant 0 : index
    %get3A_20 = arith.constant 0 : index
    %get3A_21 = arith.constant 0 : index
    %get3A_22 = vector.load %arg4[%get3A_19, %get3A_20, %get3A_21] : memref<1x12x1xf32, #tpu.memory_space<vmem>>, vector<1x12x1xf32>
    %get3A_23 = vector.shape_cast %get3A_22 : vector<1x12x1xf32> to vector<12x1xf32>
    %get3A_24 = arith.constant 0 : index
    %get3A_25 = arith.constant 0 : index
    %get3A_26 = arith.constant 0 : index
    %get3A_27 = vector.load %arg5[%get3A_24, %get3A_25, %get3A_26] : memref<1x12x1xf32, #tpu.memory_space<vmem>>, vector<1x12x1xf32>
    %get3A_28 = vector.shape_cast %get3A_27 : vector<1x12x1xf32> to vector<12x1xf32>
    %broadcast_in_dim3A = arith.constant 0.000000e+00 : f32
    %broadcast_in_dim3A_29 = vector.broadcast %broadcast_in_dim3A : f32 to vector<1024x8xf32>
    %broadcast_in_dim3A_30 = arith.constant 0.000000e+00 : f32
    %broadcast_in_dim3A_31 = vector.broadcast %broadcast_in_dim3A_30 : f32 to vector<1024x10xf32>
    %concatenate3A = tpu.concatenate %broadcast_in_dim3A_29, %get3A_3, %get3A_8, %broadcast_in_dim3A_31, %get3A_13 in 1 : vector<1024x8xf32>, vector<1024x8xf32>, vector<1024x8xf32>, vector<1024x10xf32>, vector<1024x16xf32> -> vector<1024x50xf32>
    %broadcast_in_dim3A_32 = arith.constant 0.000000e+00 : f32
    %broadcast_in_dim3A_33 = vector.broadcast %broadcast_in_dim3A_32 : f32 to vector<12x24xf32>
    %broadcast_in_dim3A_34 = arith.constant 0.000000e+00 : f32
    %broadcast_in_dim3A_35 = vector.broadcast %broadcast_in_dim3A_34 : f32 to vector<12x16xf32>
    %concatenate3A_36 = tpu.concatenate %broadcast_in_dim3A_33, %get3A_18, %get3A_23, %get3A_28, %broadcast_in_dim3A_35 in 1 : vector<12x24xf32>, vector<12x8xf32>, vector<12x1xf32>, vector<12x1xf32>, vector<12x16xf32> -> vector<12x50xf32>
    %broadcast_in_dim3A_37 = vector.shape_cast %concatenate3A : vector<1024x50xf32> to vector<1x1024x50xf32>
    %broadcast_in_dim3A_38 = vector.shape_cast %concatenate3A_36 : vector<12x50xf32> to vector<12x1x50xf32>
    %add3A = vector.broadcast %broadcast_in_dim3A_37 : vector<1x1024x50xf32> to vector<12x1024x50xf32>
    %add3A_39 = vector.broadcast %broadcast_in_dim3A_38 : vector<12x1x50xf32> to vector<12x1024x50xf32>
    %add3A_40 = arith.addf %add3A, %add3A_39 : vector<12x1024x50xf32>
    %swap3A = arith.constant 0 : index
    %swap3A_41 = arith.constant 0 : index
    %swap3A_42 = arith.constant 0 : index
    %swap3A_43 = arith.constant 0 : index
    %swap3A_44 = vector.load %arg7[%swap3A, %swap3A_41, %swap3A_42, %swap3A_43] : memref<1x12x1024x50xf32, #tpu.memory_space<vmem>>, vector<1x12x1024x50xf32>
    %swap3A_45 = vector.shape_cast %swap3A_44 : vector<1x12x1024x50xf32> to vector<12x1024x50xf32>
    %swap3A_46 = vector.shape_cast %add3A_40 : vector<12x1024x50xf32> to vector<1x12x1024x50xf32>
    tpu.vector_store %arg7[%swap3A, %swap3A_41, %swap3A_42, %swap3A_43], %swap3A_46 {strides = array<i32>} : memref<1x12x1024x50xf32, #tpu.memory_space<vmem>>, vector<1x12x1024x50xf32>,
    return
  }
  func.func @transform_0(%arg0: i32) -> (i32, i32, i32) {
    %c0_i32 = arith.constant 0 : i32
    %c0_i32_0 = arith.constant 0 : i32
    %c0_i32_1 = arith.constant 0 : i32
    return %arg0, %c0_i32, %c0_i32_0 : i32, i32, i32
  }
  func.func @transform_1(%arg0: i32) -> (i32, i32, i32) {
    %c0_i32 = arith.constant 0 : i32
    %c0_i32_0 = arith.constant 0 : i32
    %c0_i32_1 = arith.constant 0 : i32
    return %arg0, %c0_i32, %c0_i32_0 : i32, i32, i32
  }
  func.func @transform_2(%arg0: i32) -> (i32, i32, i32) {
    %c0_i32 = arith.constant 0 : i32
    %c0_i32_0 = arith.constant 0 : i32
    %c0_i32_1 = arith.constant 0 : i32
    return %arg0, %c0_i32, %c0_i32_0 : i32, i32, i32
  }
  func.func @transform_3(%arg0: i32) -> (i32, i32, i32) {
    %c0_i32 = arith.constant 0 : i32
    %c0_i32_0 = arith.constant 0 : i32
    %c0_i32_1 = arith.constant 0 : i32
    return %arg0, %c0_i32, %c0_i32_0 : i32, i32, i32
  }
  func.func @transform_4(%arg0: i32) -> (i32, i32, i32) {
    %c0_i32 = arith.constant 0 : i32
    %c0_i32_0 = arith.constant 0 : i32
    %c0_i32_1 = arith.constant 0 : i32
    return %arg0, %c0_i32, %c0_i32_0 : i32, i32, i32
  }
  func.func @transform_5(%arg0: i32) -> (i32, i32, i32) {
    %c0_i32 = arith.constant 0 : i32
    %c0_i32_0 = arith.constant 0 : i32
    %c0_i32_1 = arith.constant 0 : i32
    return %arg0, %c0_i32, %c0_i32_0 : i32, i32, i32
  }
  func.func @transform_6(%arg0: i32) -> (i32, i32, i32, i32) {
    %c0_i32 = arith.constant 0 : i32
    %c0_i32_0 = arith.constant 0 : i32
    %c0_i32_1 = arith.constant 0 : i32
    %c0_i32_2 = arith.constant 0 : i32
    return %arg0, %c0_i32, %c0_i32_0, %c0_i32_1 : i32, i32, i32, i32
  }
}

</mosaic_0001>

<sc_bundles>
// kernel: kernel.4.cloned.1.call-start
scs
__scs_entry_jumppad:
0x0: {  	(pc) =	sbr.rel $0x88, $3  }
0x1: {  	(tag) =	ssettag $0x0;
	lr =	simm.s32 $0x1  }
0x2: {  	[smem:$0x3F9A] =	sst lr;
	_ =	strace $0xD0000000  }
0x3: {  	_ = 	snop  }
0x4: {  	_ = 	snop  }
0x5: {  	_ = 	snop  }
0x6: {  	_ = 	snop  }
0x7: {  	_ = 	snop  }
__scs_overlays_trampoline_lowered:
0x8: {  	[smem:$0x3FA9] =	sst s0  }
0x9: {  	[smem:$0x3FAA] =	sst s1  }
0xa: {  	[smem:$0x3FAB] =	sst s2  }
0xb: {  	[smem:$0x3FAC] =	sst s3  }
0xc: {  	[smem:$0x3FAD] =	sst s4  }
0xd: {  	[smem:$0x3FAE] =	sst s5  }
0xe: {  	[smem:$0x3FAF] =	sst s6  }
0xf: {  	[smem:$0x3FB0] =	sst s7  }
0x10: {  	[smem:$0x3FB1] =	sst s8  }
0x11: {  	[smem:$0x3FB2] =	sst s9;
	s0 =	simm.s32 @!p0 $0x0  }
0x12: {  	s1 =	sld [smem:$0x3F98];
	s0 =	simm.s32 @p0 $0x1  }
0x13: {  	[smem:$0x3FB3] =	sst s0;
	s0 =	simm.s32 @!p1 $0x0  }
0x14: {  	s2 =	sld [smem:$0x3F97];
	s0 =	simm.s32 @p1 $0x1  }
0x15: {  	[smem:$0x3FB4] =	sst s0;
	s0 =	simm.s32 @!p2 $0x0  }
0x16: {  	s3 =	sld [smem:$0x3FDB];
	s0 =	simm.s32 @p2 $0x1  }
0x17: {  	s4 =	simm.s32 $0x1BF5;
	[smem:$0x3FB6] =	sst s0  }
0x18: {  	s0 =	sld [smem:$0x3F99];
	_ =	swait.ge [sflag:s4], $0x0  }
0x19: {  	s7 =	sld [smem:$0x3F9A]  }
0x1a: {  	s8 =	sadd.s32 $0xFFFFE003, lr  }
0x1b: {  	s9 =	sadd.s32 $0xFFFFFEF7, lr;
	s5 =	simm.s32 $0xFFFFFFFF;
	p2 =	slt.u32 s8, $0xFFFFF086  }
0x1c: {  	p1 =	slt.u32 s9, $0xF7A;
	s5 =	simm.s32 @!p2 $0x0  }
0x1d: {  	s5 =	simm.s32 @p1 $0x1;
	p0 =	seq.s32 s7, s2  }
0x1e: {  	s7 =	smul.u32 @!p0 $0xF7A, s2;
	p2 =	seq.s32 @!p0 s5, $0x0  }
0x1f: {  	s9 =	smul.u32 $0xF7A, s1;
	s8 =	simm.s32 @!p0 $0x1BF5;
	p2 =	por !p2, p0  }
0x20: {  	[sflag:s8] =	ssyncset.s32 @!p0 $0xFFFFF086;
	s6 =	sadd.s32 @!p0 s3, s7;
	s7 =	simm.s32 @!p0 $0x108  }
0x21: {  	s3 =	sadd.s32 s3, s9;
	s6 =	sadd.s32 @!p0 $0x88, s6;
	s7 =	simm.s32 @p2 $0x1082  }
0x22: {  	[simem:s7], [sflag:s8] =	dma.local @!p0 [hbm:s6], $0xF7A  }
0x23: {  	s9 =	sor.u32 $0xD0000000, s2;
	s6 =	simm.s32 $0x108;
	_ =	swait.ge @!p0 [sflag:s8], $0x0  }
0x24: {  	s3 =	sadd.s32 $0x88, s3;
	s6 =	simm.s32 @!p1 $0x1082;
	[sflag:s4] =	ssyncset.s32 $0xFFFFF086  }
0x25: {  	[simem:s6], [sflag:s4] =	dma.local [hbm:s3], $0xF7A  }
0x26: {  	[smem:$0x3F9A] =	sst s1;
	(tag) =	ssettag s2;
	_ =	strace s9  }
0x27: {  	s1 =	sld [smem:$0x3FAA]  }
0x28: {  	s2 =	sld [smem:$0x3FAB]  }
0x29: {  	s4 =	sld [smem:$0x3FAD]  }
0x2a: {  	p0 =	seq.s32 s5, $0x0;
	s5 =	sld [smem:$0x3FAE]  }
0x2b: {  	s6 =	sld [smem:$0x3FAF]  }
0x2c: {  	s7 =	sld [smem:$0x3FB0]  }
0x2d: {  	s3 =	simm.s32 $0x108;
	s8 =	sld [smem:$0x3FB1]  }
0x2e: {  	s3 =	simm.s32 @!p0 $0x1082;
	s9 =	sld [smem:$0x3FB2]  }
0x2f: {  	lr =	sadd.s32 s0, s3;
	s0 =	sld [smem:$0x3FA9]  }
0x30: {  	s3 =	sld [smem:$0x3FAC]  }
0x31: {  	[smem:$0x3FB5] =	sst s10  }
0x32: {  	s10 =	sld [smem:$0x3FB3];
	_ =	sdelay $0x3  }
0x33: {  	p0 =	seq.s32 s10, $0x1;
	s10 =	sld [smem:$0x3FB5];
	_ =	sdelay $0x3  }
0x34: {  	[smem:$0x3FB5] =	sst s10  }
0x35: {  	s10 =	sld [smem:$0x3FB4];
	_ =	sdelay $0x3  }
0x36: {  	p1 =	seq.s32 s10, $0x1;
	s10 =	sld [smem:$0x3FB5];
	_ =	sdelay $0x3  }
0x37: {  	[smem:$0x3FB5] =	sst s10  }
0x38: {  	s10 =	sld [smem:$0x3FB6]  }
0x39: {  	_ = 	snop;
	(pc) =	sbr.ind lr, $3  }
0x3a: {  	_ = 	snop  }
0x3b: {  	_ = 	snop  }
0x3c: {  	p2 =	seq.s32 s10, $0x1;
	s10 =	sld [smem:$0x3FB5]  }
0x3d: {  	_ =	shalt  }
0x3e: {  	_ =	shalt  }
0x3f: {  	_ =	shalt  }
0x40: {  	_ =	shalt  }
0x41: {  	_ =	shalt  }
0x42: {  	_ =	shalt  }
0x43: {  	_ =	shalt  }
0x44: {  	_ =	shalt  }
0x45: {  	_ =	shalt  }
0x46: {  	_ =	shalt  }
0x47: {  	_ =	shalt  }
0x48: {  	_ =	shalt  }
0x49: {  	_ =	shalt  }
0x4a: {  	_ =	shalt  }
0x4b: {  	_ =	shalt  }
0x4c: {  	_ =	shalt  }
0x4d: {  	_ =	shalt  }
0x4e: {  	_ =	shalt  }
0x4f: {  	_ =	shalt  }
0x50: {  	_ =	shalt  }
0x51: {  	_ =	shalt  }
0x52: {  	_ =	shalt  }
0x53: {  	_ =	shalt  }
0x54: {  	_ =	shalt  }
0x55: {  	_ =	shalt  }
0x56: {  	_ =	shalt  }
0x57: {  	_ =	shalt  }
0x58: {  	_ =	shalt  }
0x59: {  	_ =	shalt  }
0x5a: {  	_ =	shalt  }
0x5b: {  	_ =	shalt  }
0x5c: {  	_ =	shalt  }
0x5d: {  	_ =	shalt  }
0x5e: {  	_ =	shalt  }
0x5f: {  	_ =	shalt  }
0x60: {  	_ =	shalt  }
0x61: {  	_ =	shalt  }
0x62: {  	_ =	shalt  }
0x63: {  	_ =	shalt  }
0x64: {  	_ =	shalt  }
0x65: {  	_ =	shalt  }
0x66: {  	_ =	shalt  }
0x67: {  	_ =	shalt  }
0x68: {  	_ =	shalt  }
0x69: {  	_ =	shalt  }
0x6a: {  	_ =	shalt  }
0x6b: {  	_ =	shalt  }
0x6c: {  	_ =	shalt  }
0x6d: {  	_ =	shalt  }
0x6e: {  	_ =	shalt  }
0x6f: {  	_ =	shalt  }
0x70: {  	_ =	shalt  }
0x71: {  	_ =	shalt  }
0x72: {  	_ =	shalt  }
0x73: {  	_ =	shalt  }
0x74: {  	_ =	shalt  }
0x75: {  	_ =	shalt  }
0x76: {  	_ =	shalt  }
0x77: {  	_ =	shalt  }
0x78: {  	_ =	shalt  }
0x79: {  	_ =	shalt  }
0x7a: {  	_ =	shalt  }
0x7b: {  	_ =	shalt  }
0x7c: {  	_ =	shalt  }
0x7d: {  	_ =	shalt  }
0x7e: {  	_ =	shalt  }
0x7f: {  	_ =	shalt  }
0x80: {  	_ =	shalt  }
0x81: {  	_ =	shalt  }
0x82: {  	_ =	shalt  }
0x83: {  	_ =	shalt  }
0x84: {  	_ =	shalt  }
0x85: {  	_ =	shalt  }
0x86: {  	_ =	shalt  }
0x87: {  	_ =	shalt  }
.Lfunc_end0:
.L_simem_size_0:
called_computation.1_lowered:
.L_overlay_start_0:
0x88: {  	s2 =	sld [smem:$0x3FD9]  }
0x89: {  	s3 =	sld [smem:$0x3FFE];
	_ =	sdelay $0x1  }
0x8a: {  	s1 =	srdreg.scid  }
0x8b: {  	s0 =	sand.u32 $0x1, s1  }
0x8c: {  	s16 =	sshll.u32 s0, $0xA;
	s2 =	sadd.s32 s3, s2  }
0x8d: {  	s2 =	sadd.s32 s2, s16  }
0x8e: {  	[smem:$0x3FC1] =	sst s2  }
0x8f: {  	_ = 	snop  }
0x90: {  	(tm) =	ssettm $0x1  }
0x91: {  	s17 =	sld [smem:$0x3FFB];
	_ =	sdelay $0x3  }
0x92: {  	_ =	strace s17  }
0x93: {  	s2 =	sld [smem:$0x3FFC];
	_ =	sdelay $0x3  }
0x94: {  	_ =	strace s2  }
0x95: {  	s2 =	sld [smem:$0x3FFD];
	_ =	sdelay $0x3  }
0x96: {  	_ =	strace s2  }
0x97: {  	_ =	strace $0x8FFFFFFF  }
0x98: {  	s18 =	sld [smem:$0x3FDB];
	_ =	sdelay $0x1  }
0x99: {  	s19 =	simm.s32 $_scs_section_size  }
0x9a: {  	s4 =	simm.s32 $_size__tile_overlayer_lowered;
	s5 =	simm.s32 $_tile_overlayer_lowered  }
0x9b: {  	s22 =	simm.s32 $0x1BFF;
	s21 =	sshll.u32 s5, $0x1;
	s2 =	sadd.s32 s19, s18  }
0x9c: {  	s6 =	simm.s32 $0x0;
	s20 =	sshll.u32 s4, $0x1;
	s4 =	sadd.s32 s21, s2  }
0x9d: {  	[timem:s6], [sflag:s22] =	dma.local [hbm:s4], s20  }
0x9e: {  	_ =	swait.ge [sflag:s22], s20  }
0x9f: {  	s3 =	ssub.s32 $0x0, s20;
	[sflag:s22] =	ssyncset.done $0x0  }
0xa0: {  	[sflag:s22] =	ssyncadd.s32 s3;
	_ =	sdelay $0x1  }
0xa1: {  	s23 =	simm.s32 $0x1B8B  }
0xa2: {  	_ =	swait.ge [sflag:s23], $0x1  }
0xa3: {  	[sflag:s23] =	ssyncset.done $0x0  }
0xa4: {  	s25 =	simm.s32 $0x1B8E;
	s24 =	sld [smem:$0x3FFE];
	[sflag:s23] =	ssyncadd.s32 $0xFFFFFFFF  }
0xa5: {  	s26 =	simm.s32 $execute0_lowered;
	[smem:$0x3FD2] =	sst s25  }
0xa6: {  	s4 =	sshll.u32 s26, $0x1;
	_ =	strace $0x80000046;
	[dreg:$0x1] =	wrdreg $0xFFFFFFFF  }
0xa7: {  	s28 =	simm.s32 $_size_execute0_lowered;
	s2 =	sadd.s32 s2, s4;
	[dreg:$0x0] =	wrdreg $0x0  }
0xa8: {  	s4 =	sshll.u32 s28, $0x1;
	[dreg:$0x2] =	wrdreg s2  }
0xa9: {  	[dreg:$0x3] =	wrdreg s4  }
0xaa: {  	[dreg:$0x4] =	wrdreg $0xC0  }
0xab: {  	_ =	task [dreg:s6], $0x5FFFF  }
0xac: {  	[dreg:$0x1] =	wrdreg $0xFFFFFFFF  }
0xad: {  	[dreg:$0x0] =	wrdreg $0x60  }
0xae: {  	[dreg:$0x2] =	wrdreg s24  }
0xaf: {  	[dreg:$0x3] =	wrdreg $0x9  }
0xb0: {  	_ =	task.clear_ibuf [dreg:s6], $0x4FFFF;
	_ =	strace $0x90000046  }
0xb1: {  	s29 =	simm.s32 $0x9;
	_ =	strace $0x80000048  }
0xb2: {  	_ =	swait.ge [sflag:s29], $0x1  }
0xb3: {  	[sflag:s29] =	ssyncadd.s32 $0xFFFFFFFF  }
0xb4: {  	_ =	strace $0x90000048  }
0xb5: {  	_ =	sfence  }
0xb6: {  	s30 =	sld [smem:$0x0];
	_ =	sdelay $0x2  }
0xb7: {  	s31 =	sshll.u32 s1, $0xD;
	s1 =	sshrl.u32 s1, $0x2  }
0xb8: {  	s3 =	sand.u32 $0x4000, s31;
	s1 =	sadd.s32 s1, s30  }
0xb9: {  	s0 =	sor.u32 s3, s0;
	s1 =	sshll.u32 s1, $0x11  }
0xba: {  	s0 =	sor.u32 s1, s0  }
0xbb: {  	s0 =	sadd.s32 $0x8F2B, s0  }
0xbc: {  	[sflag:s0] =	ssyncadd.remote.s32 $0x1  }
0xbd: {  	_ =	sfence.sel $0xFFFF  }
0xbe: {  	[dreg:$0x0] =	wrdreg $0xFFFFFFFF;
	(pc) =	sbr.abs _section_cstart, $3  }
0xbf: {  	[dreg:$0x1] =	wrdreg $0xFFFFFFFF  }
0xc0: {  	_ =	task.clear_ibuf [dreg:s6], $0x2FFFF;
	_ =	strace $0x9FFFFFFF  }
0xc1: {  	(tm) =	ssettm $0x7FFFFFFF  }
tec
execute0_lowered:
.L_overlay_start_1:
0x0: {  	(tag) =	ssettag $0x1  }
0x1: {  	s4 =	rddreg [dreg:$0x0]  }
0x2: {  	s0 =	rddreg [dreg:$0x1]  }
0x3: {  	s3 =	srdreg.scid;
	s1 =	stileid.u32;
	s2 =	simm.s32 $0x0  }
0x4: {  	s8 =	simm.s32 $0x80;
	s9 =	simm.s32 $0x400;
	s10 =	simm.s32 $0xC00  }
0x5: {  	s11 =	simm.s32 $0x100;
	s12 =	simm.s32 $0x1400;
	s13 =	simm.s32 $0x180  }
0x6: {  	s14 =	simm.s32 $0x1C00;
	s15 =	simm.s32 $0x200;
	s16 =	simm.s32 $0x2400  }
0x7: {  	s17 =	simm.s32 $0x280;
	s18 =	simm.s32 $0x2C00;
	s19 =	simm.s32 $0x300  }
0x8: {  	s20 =	simm.s32 $0x3400;
	s21 =	simm.s32 $0x380;
	s22 =	simm.s32 $0x3C00  }
0x9: {  	s3 =	sand.u32 $0x1, s3;
	s5 =	sshll.u32 s1, $0x1;
	[smem:$0x7FF] =	sst s2  }
0xa: {  	s23 =	simm.s32 $0x1;
	s5 =	sor.u32 s3, s5;
	_ =	strace $0x80000047  }
0xb: {  	s7 =	ssub.s32 $0x2, s3;
	s3 =	sadd.s32 $0x1A00, s4;
	s6 =	sshll.u32 s5, $0x7  }
0xc: {  	s5 =	sshll.u32 s5, $0xB;
	s31 =	sshrl.u32 s7, $0x1;
	s6 =	sadd.s32 s6, s4  }
0xd: {  	s5 =	sadd.s32 s5, s4;
	s7 =	ssub.s32 s7, s31;
	s4 =	sadd.s32 $0xA00, s6  }
0xe: {  	s5 =	sadd.s32 $0x3A00, s5;
	s6 =	smax.u32 s7, $0x1;
	s7 =	simm.s32 $0x2  }
.LBB2_1:
0xf: {  	[tilespmem:s2], [sflag:$0x2] =	stream.linear.gather [hbm4b:s4+s2], $0x400, $0x38;
	[tilespmem:$0x4400] =	vst v63  }
0x10: {  	_ =	swait.ge [sflag:s7], $0x400  }
0x11: {  	[sflag:s7] =	ssyncset.done $0x0  }
0x12: {  	[sflag:s7] =	ssyncadd.s32 $0xFFFFFC00  }
0x13: {  	v0 =	vld [tilespmem:$0x0]  }
0x14: {  	v1 =	vld [tilespmem:$0x10]  }
0x15: {  	v2 =	vld [tilespmem:$0x20]  }
0x16: {  	v3 =	vld [tilespmem:$0x30]  }
0x17: {  	v4 =	vld [tilespmem:$0x40]  }
0x18: {  	v5 =	vld [tilespmem:$0x50];
	v0 =	vadd.s32 $0x168, v0  }
0x19: {  	v57 =	vld [tilespmem:$0x60];
	v56 =	vadd.s32 $0x168, v1;
	[tilespmem:$0x0] =	vst v0  }
0x1a: {  	v59 =	vld [tilespmem:$0x70];
	v58 =	vadd.s32 $0x168, v2;
	[tilespmem:$0x10] =	vst v56  }
0x1b: {  	v61 =	vld [tilespmem:$0x80];
	v60 =	vadd.s32 $0x168, v3;
	[tilespmem:$0x20] =	vst v58  }
0x1c: {  	v63 =	vld [tilespmem:$0x90];
	v62 =	vadd.s32 $0x168, v4;
	[tilespmem:$0x30] =	vst v60  }
0x1d: {  	v9 =	vld [tilespmem:$0xA0];
	v8 =	vadd.s32 $0x168, v5;
	[tilespmem:$0x40] =	vst v62  }
0x1e: {  	v11 =	vld [tilespmem:$0xB0];
	v10 =	vadd.s32 $0x168, v57;
	[tilespmem:$0x50] =	vst v8  }
0x1f: {  	v13 =	vld [tilespmem:$0xC0];
	v12 =	vadd.s32 $0x168, v59;
	[tilespmem:$0x60] =	vst v10  }
0x20: {  	v15 =	vld [tilespmem:$0xD0];
	v14 =	vadd.s32 $0x168, v61;
	[tilespmem:$0x70] =	vst v12  }
0x21: {  	v17 =	vld [tilespmem:$0xE0];
	v16 =	vadd.s32 $0x168, v63;
	[tilespmem:$0x80] =	vst v14  }
0x22: {  	v19 =	vld [tilespmem:$0xF0];
	v18 =	vadd.s32 $0x168, v9;
	[tilespmem:$0x90] =	vst v16  }
0x23: {  	v21 =	vld [tilespmem:$0x100];
	v20 =	vadd.s32 $0x168, v11;
	[tilespmem:$0xA0] =	vst v18  }
0x24: {  	v23 =	vld [tilespmem:$0x110];
	v22 =	vadd.s32 $0x168, v13;
	[tilespmem:$0xB0] =	vst v20  }
0x25: {  	v25 =	vld [tilespmem:$0x120];
	v24 =	vadd.s32 $0x168, v15;
	[tilespmem:$0xC0] =	vst v22  }
0x26: {  	v27 =	vld [tilespmem:$0x130];
	v26 =	vadd.s32 $0x168, v17;
	[tilespmem:$0xD0] =	vst v24  }
0x27: {  	v29 =	vld [tilespmem:$0x140];
	v28 =	vadd.s32 $0x168, v19;
	[tilespmem:$0xE0] =	vst v26  }
0x28: {  	v31 =	vld [tilespmem:$0x150];
	v30 =	vadd.s32 $0x168, v21;
	[tilespmem:$0xF0] =	vst v28  }
0x29: {  	v33 =	vld [tilespmem:$0x160];
	v32 =	vadd.s32 $0x168, v23;
	[tilespmem:$0x100] =	vst v30  }
0x2a: {  	v35 =	vld [tilespmem:$0x170];
	v34 =	vadd.s32 $0x168, v25;
	[tilespmem:$0x110] =	vst v32  }
0x2b: {  	v37 =	vld [tilespmem:$0x180];
	v36 =	vadd.s32 $0x168, v27;
	[tilespmem:$0x120] =	vst v34  }
0x2c: {  	v39 =	vld [tilespmem:$0x190];
	v38 =	vadd.s32 $0x168, v29;
	[tilespmem:$0x130] =	vst v36  }
0x2d: {  	v41 =	vld [tilespmem:$0x1A0];
	v40 =	vadd.s32 $0x168, v31;
	[tilespmem:$0x140] =	vst v38  }
0x2e: {  	v43 =	vld [tilespmem:$0x1B0];
	v42 =	vadd.s32 $0x168, v33;
	[tilespmem:$0x150] =	vst v40  }
0x2f: {  	v45 =	vld [tilespmem:$0x1C0];
	v44 =	vadd.s32 $0x168, v35;
	[tilespmem:$0x160] =	vst v42  }
0x30: {  	v55 =	vld [tilespmem:$0x210];
	v46 =	vadd.s32 $0x168, v37;
	[tilespmem:$0x170] =	vst v44  }
0x31: {  	v47 =	vld [tilespmem:$0x1D0];
	v48 =	vadd.s32 $0x168, v39;
	[tilespmem:$0x180] =	vst v46  }
0x32: {  	v49 =	vld [tilespmem:$0x1E0];
	v50 =	vadd.s32 $0x168, v41;
	[tilespmem:$0x190] =	vst v48  }
0x33: {  	v51 =	vld [tilespmem:$0x1F0];
	v52 =	vadd.s32 $0x168, v43;
	[tilespmem:$0x1A0] =	vst v50  }
0x34: {  	v53 =	vld [tilespmem:$0x200];
	v54 =	vadd.s32 $0x168, v45;
	[tilespmem:$0x1B0] =	vst v52  }
0x35: {  	v57 =	vld [tilespmem:$0x220];
	v7 =	vadd.s32 $0x168, v55;
	[tilespmem:$0x1C0] =	vst v54  }
0x36: {  	v59 =	vld [tilespmem:$0x230];
	v56 =	vadd.s32 $0x168, v47;
	[tilespmem:$0x210] =	vst v7  }
0x37: {  	v61 =	vld [tilespmem:$0x240];
	v58 =	vadd.s32 $0x168, v49;
	[tilespmem:$0x1D0] =	vst v56  }
0x38: {  	v63 =	vld [tilespmem:$0x250];
	v60 =	vadd.s32 $0x168, v51;
	[tilespmem:$0x1E0] =	vst v58  }
0x39: {  	v62 =	vadd.s32 $0x168, v53;
	v8 =	vld [tilespmem:$0x260];
	[tilespmem:$0x1F0] =	vst v60  }
0x3a: {  	v10 =	vld [tilespmem:$0x270];
	[tilespmem:$0x200] =	vst v62;
	v9 =	vadd.s32 $0x168, v57  }
0x3b: {  	v12 =	vld [tilespmem:$0x280];
	v11 =	vadd.s32 $0x168, v59;
	[tilespmem:$0x220] =	vst v9  }
0x3c: {  	v14 =	vld [tilespmem:$0x290];
	v13 =	vadd.s32 $0x168, v61;
	[tilespmem:$0x230] =	vst v11  }
0x3d: {  	v16 =	vld [tilespmem:$0x2A0];
	v15 =	vadd.s32 $0x168, v63;
	[tilespmem:$0x240] =	vst v13  }
0x3e: {  	v18 =	vld [tilespmem:$0x2B0];
	[tilespmem:$0x250] =	vst v15;
	v17 =	vadd.s32 $0x168, v8  }
0x3f: {  	v20 =	vld [tilespmem:$0x2C0];
	v19 =	vadd.s32 $0x168, v10;
	[tilespmem:$0x260] =	vst v17  }
0x40: {  	v22 =	vld [tilespmem:$0x2D0];
	v21 =	vadd.s32 $0x168, v12;
	[tilespmem:$0x270] =	vst v19  }
0x41: {  	v24 =	vld [tilespmem:$0x2E0];
	v23 =	vadd.s32 $0x168, v14;
	[tilespmem:$0x280] =	vst v21  }
0x42: {  	v26 =	vld [tilespmem:$0x2F0];
	v25 =	vadd.s32 $0x168, v16;
	[tilespmem:$0x290] =	vst v23  }
0x43: {  	v28 =	vld [tilespmem:$0x300];
	v27 =	vadd.s32 $0x168, v18;
	[tilespmem:$0x2A0] =	vst v25  }
0x44: {  	v30 =	vld [tilespmem:$0x310];
	v29 =	vadd.s32 $0x168, v20;
	[tilespmem:$0x2B0] =	vst v27  }
0x45: {  	v32 =	vld [tilespmem:$0x320];
	v31 =	vadd.s32 $0x168, v22;
	[tilespmem:$0x2C0] =	vst v29  }
0x46: {  	v34 =	vld [tilespmem:$0x330];
	v33 =	vadd.s32 $0x168, v24;
	[tilespmem:$0x2D0] =	vst v31  }
0x47: {  	v36 =	vld [tilespmem:$0x340];
	v35 =	vadd.s32 $0x168, v26;
	[tilespmem:$0x2E0] =	vst v33  }
0x48: {  	v38 =	vld [tilespmem:$0x350];
	v37 =	vadd.s32 $0x168, v28;
	[tilespmem:$0x2F0] =	vst v35  }
0x49: {  	v40 =	vld [tilespmem:$0x360];
	v39 =	vadd.s32 $0x168, v30;
	[tilespmem:$0x300] =	vst v37  }
0x4a: {  	v42 =	vld [tilespmem:$0x370];
	v41 =	vadd.s32 $0x168, v32;
	[tilespmem:$0x310] =	vst v39  }
0x4b: {  	v44 =	vld [tilespmem:$0x380];
	v43 =	vadd.s32 $0x168, v34;
	[tilespmem:$0x320] =	vst v41  }
0x4c: {  	v46 =	vld [tilespmem:$0x390];
	v45 =	vadd.s32 $0x168, v36;
	[tilespmem:$0x330] =	vst v43  }
0x4d: {  	v48 =	vld [tilespmem:$0x3A0];
	v47 =	vadd.s32 $0x168, v38;
	[tilespmem:$0x340] =	vst v45  }
0x4e: {  	v50 =	vld [tilespmem:$0x3B0];
	v49 =	vadd.s32 $0x168, v40;
	[tilespmem:$0x350] =	vst v47  }
0x4f: {  	v52 =	vld [tilespmem:$0x3C0];
	v51 =	vadd.s32 $0x168, v42;
	[tilespmem:$0x360] =	vst v49  }
0x50: {  	v54 =	vld [tilespmem:$0x3D0];
	v53 =	vadd.s32 $0x168, v44;
	[tilespmem:$0x370] =	vst v51  }
0x51: {  	v56 =	vld [tilespmem:$0x3E0];
	v55 =	vadd.s32 $0x168, v46;
	[tilespmem:$0x380] =	vst v53  }
0x52: {  	v58 =	vld [tilespmem:$0x3F0];
	v57 =	vadd.s32 $0x168, v48;
	[tilespmem:$0x390] =	vst v55  }
0x53: {  	v59 =	vadd.s32 $0x168, v50;
	[tilespmem:$0x3A0] =	vst v57  }
0x54: {  	v60 =	vadd.s32 $0x168, v52;
	[tilespmem:$0x3B0] =	vst v59  }
0x55: {  	v61 =	vadd.s32 $0x168, v54;
	[tilespmem:$0x3C0] =	vst v60  }
0x56: {  	[tilespmem:$0x3D0] =	vst v61;
	v62 =	vadd.s32 $0x168, v56  }
0x57: {  	v63 =	vadd.s32 $0x168, v58;
	[tilespmem:$0x3E0] =	vst v62  }
0x58: {  	[tilespmem:$0x3F0] =	vst v63  }
0x59: {  	[tilespmem:s9], [sflag:$0x1] =	stream.indirect.gather [hbm4b:s3+s8], $0x10, s2, s8, $0xb8;
	[tilespmem:$0x4400] =	vst v63  }
0x5a: {  	_ = 	snop  }
0x5b: {  	[tilespmem:s10], [sflag:$0x1] =	stream.indirect.gather [hbm4b:s3+s8], $0x10, s8, s8, $0xb8;
	[tilespmem:$0x4400] =	vst v63  }
0x5c: {  	_ = 	snop  }
0x5d: {  	[tilespmem:s12], [sflag:$0x1] =	stream.indirect.gather [hbm4b:s3+s8], $0x10, s11, s8, $0xb8;
	[tilespmem:$0x4400] =	vst v63  }
0x5e: {  	_ = 	snop  }
0x5f: {  	[tilespmem:s14], [sflag:$0x1] =	stream.indirect.gather [hbm4b:s3+s8], $0x10, s13, s8, $0xb8;
	[tilespmem:$0x4400] =	vst v63  }
0x60: {  	_ = 	snop  }
0x61: {  	[tilespmem:s16], [sflag:$0x1] =	stream.indirect.gather [hbm4b:s3+s8], $0x10, s15, s8, $0xb8;
	[tilespmem:$0x4400] =	vst v63  }
0x62: {  	_ = 	snop  }
0x63: {  	[tilespmem:s18], [sflag:$0x1] =	stream.indirect.gather [hbm4b:s3+s8], $0x10, s17, s8, $0xb8;
	[tilespmem:$0x4400] =	vst v63  }
0x64: {  	_ = 	snop  }
0x65: {  	[tilespmem:s20], [sflag:$0x1] =	stream.indirect.gather [hbm4b:s3+s8], $0x10, s19, s8, $0xb8;
	[tilespmem:$0x4400] =	vst v63  }
0x66: {  	_ = 	snop  }
0x67: {  	[tilespmem:s22], [sflag:$0x1] =	stream.indirect.gather [hbm4b:s3+s8], $0x10, s21, s8, $0xb8;
	[tilespmem:$0x4400] =	vst v63  }
0x68: {  	_ =	swait.ge [sflag:s23], $0x800  }
0x69: {  	[sflag:s23] =	ssyncset.done $0x0  }
0x6a: {  	[sflag:s23] =	ssyncadd.s32 $0xFFFFF800  }
0x6b: {  	_ =	swait.ge [sflag:s23], $0x800  }
0x6c: {  	[sflag:s23] =	ssyncset.done $0x0  }
0x6d: {  	[sflag:s23] =	ssyncadd.s32 $0xFFFFF800  }
0x6e: {  	_ =	swait.ge [sflag:s23], $0x800  }
0x6f: {  	[sflag:s23] =	ssyncset.done $0x0  }
0x70: {  	[sflag:s23] =	ssyncadd.s32 $0xFFFFF800  }
0x71: {  	_ =	swait.ge [sflag:s23], $0x800  }
0x72: {  	[sflag:s23] =	ssyncset.done $0x0  }
0x73: {  	[sflag:s23] =	ssyncadd.s32 $0xFFFFF800  }
0x74: {  	_ =	swait.ge [sflag:s23], $0x800  }
0x75: {  	[sflag:s23] =	ssyncset.done $0x0  }
0x76: {  	[sflag:s23] =	ssyncadd.s32 $0xFFFFF800  }
0x77: {  	_ =	swait.ge [sflag:s23], $0x800  }
0x78: {  	[sflag:s23] =	ssyncset.done $0x0  }
0x79: {  	[sflag:s23] =	ssyncadd.s32 $0xFFFFF800  }
0x7a: {  	_ =	swait.ge [sflag:s23], $0x800  }
0x7b: {  	[sflag:s23] =	ssyncset.done $0x0  }
0x7c: {  	[sflag:s23] =	ssyncadd.s32 $0xFFFFF800  }
0x7d: {  	_ =	swait.ge [sflag:s23], $0x800  }
0x7e: {  	p0 =	sne.s32 s6, $0x1;
	[sflag:s23] =	ssyncset.done $0x0  }
.Ltmp0:
0x7f: {  	[sflag:s23] =	ssyncadd.s32 $0xFFFFF800;
	(pc) =	sbr.rel @p0 .LBB2_1-.Ltmp0, $4  }
0x80: {  	[hbm4b:s5+s2] =	stream.linear.scatter [tilespmem:s9], [sflag:$0x2], $0x4000, $0x38;
	[tilespmem:$0x4400] =	vst v63  }
0x81: {  	_ =	swait.ge [sflag:s7], $0x4000  }
0x82: {  	[sflag:s7] =	ssyncset.done $0x0  }
0x83: {  	s6 =	sadd.s32 $0xFFFFFFFF, s6;
	[sflag:s7] =	ssyncadd.s32 $0xFFFFC000  }
0x84: {  	_ =	sfence.sel $0x180000  }
0x85: {  	[bflag:$0x0] =	sbarrier.arrive $0xFFFF  }
0x86: {  	p0 =	sne.s32 s1, $0x0;
	_ =	strace $0x90000047  }
0x87: {  	s0 =	sadd.s32 @!p0 $0x100000, s0;
	[bflag:$0x2] =	sbarrier.arrive $0xFFFF  }
0x88: {  	[sflag:s0] =	ssyncadd.tile.s32 @!p0 $0x1;
	_ =	shalt  }
.Lfunc_end2:
_tile_overlayer_lowered:
.L_overlay_start_2:
0x89: {  	(tag) =	ssettag $0x2  }
0x8a: {  	s0 =	rddreg [dreg:$0x0];
	s2 =	stileid.u32  }
0x8b: {  	s1 =	rddreg [dreg:$0x1];
	p0 =	sne.s32 s2, $0x0  }
0x8c: {  	s3 =	rddreg [dreg:$0x2];
	[bflag:$0x3] =	sbarrier.arrive $0xFFFF;
	s2 =	simm.s32 @!p0 $0x1C02  }
0x8d: {  	[timem:s3], [sflag:s2] =	dma.local @!p0 [hbm:s0], s1  }
0x8e: {  	s0 =	simm.s32 @!p0 $0x2  }
0x8f: {  	_ =	swait.ge @!p0 [sflag:s0], s1  }
0x90: {  	s1 =	ssub.s32 @!p0 $0x0, s1;
	[sflag:s0] =	ssyncset.done @!p0 $0x0  }
0x91: {  	[sflag:s0] =	ssyncadd.s32 @!p0 s1  }
0x92: {  	[bflag:$0x3] =	sbarrier.arrive $0xFFFF  }
0x93: {  	_ =	shalt  }

// kernel: sparse-core-data-format-call.cloned.1.call-start
scs
called_computation_lowered:
.L_overlay_start_0:
0x0: {  	s2 =	sld [smem:$0x3FD9]  }
0x1: {  	s3 =	sld [smem:$0x3FFE];
	_ =	sdelay $0x1  }
0x2: {  	s1 =	srdreg.scid  }
0x3: {  	s0 =	sand.u32 $0x1, s1  }
0x4: {  	s18 =	sshll.u32 s0, $0xA;
	s2 =	sadd.s32 s3, s2  }
0x5: {  	s2 =	sadd.s32 s2, s18  }
0x6: {  	[smem:$0x3FC1] =	sst s2  }
0x7: {  	_ = 	snop  }
0x8: {  	s2 =	sld [smem:$0x3FD0];
	(tm) =	ssettm $0x1  }
0x9: {  	s19 =	sld [smem:$0x3FFB];
	_ =	sdelay $0x3  }
0xa: {  	_ =	strace s19  }
0xb: {  	s3 =	sld [smem:$0x3FFC];
	_ =	sdelay $0x3  }
0xc: {  	_ =	strace s3  }
0xd: {  	s3 =	sld [smem:$0x3FFD];
	_ =	sdelay $0x3  }
0xe: {  	_ =	strace s3  }
0xf: {  	_ =	strace $0x8FFFFFFF  }
0x10: {  	s20 =	sld [smem:$0x3FDB];
	_ =	sdelay $0x1  }
0x11: {  	s4 =	simm.s32 $_scs_section_size  }
0x12: {  	s5 =	simm.s32 $_size__tile_overlayer_lowered;
	s6 =	simm.s32 $_tile_overlayer_lowered  }
0x13: {  	s23 =	simm.s32 $0x1BFF;
	s22 =	sshll.u32 s6, $0x1;
	s3 =	sadd.s32 s4, s20  }
0x14: {  	s7 =	simm.s32 $0x0;
	s21 =	sshll.u32 s5, $0x1;
	s5 =	sadd.s32 s22, s3  }
0x15: {  	[timem:s7], [sflag:s23] =	dma.local [hbm:s5], s21  }
0x16: {  	_ =	swait.ge [sflag:s23], s21  }
0x17: {  	s4 =	ssub.s32 $0x0, s21;
	[sflag:s23] =	ssyncset.done $0x0  }
0x18: {  	[sflag:s23] =	ssyncadd.s32 s4;
	_ =	sdelay $0x1  }
0x19: {  	s24 =	simm.s32 $0x1B8B  }
0x1a: {  	_ =	swait.ge [sflag:s24], $0x1  }
0x1b: {  	[sflag:s24] =	ssyncset.done $0x0  }
0x1c: {  	s26 =	simm.s32 $0x1B8E;
	s25 =	sld [smem:$0x3FFE];
	[sflag:s24] =	ssyncadd.s32 $0xFFFFFFFF  }
0x1d: {  	s27 =	simm.s32 $execute0_lowered;
	[smem:$0x3FD2] =	sst s26  }
0x1e: {  	s5 =	sshll.u32 s27, $0x1;
	_ =	strace $0x80000049;
	[dreg:$0x1] =	wrdreg $0xFFFFFFFF  }
0x1f: {  	s28 =	simm.s32 $_size_execute0_lowered;
	s3 =	sadd.s32 s3, s5;
	[dreg:$0x0] =	wrdreg $0x0  }
0x20: {  	s5 =	sshll.u32 s28, $0x1;
	[dreg:$0x2] =	wrdreg s3  }
0x21: {  	[dreg:$0x3] =	wrdreg s5  }
0x22: {  	[dreg:$0x4] =	wrdreg $0xC0  }
0x23: {  	_ =	task [dreg:s7], $0x5FFFF  }
0x24: {  	[dreg:$0x1] =	wrdreg $0xFFFFFFFF  }
0x25: {  	[dreg:$0x0] =	wrdreg $0x60  }
0x26: {  	[dreg:$0x2] =	wrdreg s25  }
0x27: {  	[dreg:$0x3] =	wrdreg s2  }
0x28: {  	[dreg:$0x4] =	wrdreg $0x9  }
0x29: {  	_ =	task.clear_ibuf [dreg:s7], $0x5FFFF;
	_ =	strace $0x90000049  }
0x2a: {  	s29 =	simm.s32 $0x9;
	_ =	strace $0x8000004B  }
0x2b: {  	_ =	swait.ge [sflag:s29], $0x1  }
0x2c: {  	[sflag:s29] =	ssyncadd.s32 $0xFFFFFFFF  }
0x2d: {  	_ =	strace $0x9000004B  }
0x2e: {  	_ =	sfence  }
0x2f: {  	s30 =	sld [smem:$0x0];
	_ =	sdelay $0x2  }
0x30: {  	s31 =	sshll.u32 s1, $0xD;
	s1 =	sshrl.u32 s1, $0x2  }
0x31: {  	s3 =	sand.u32 $0x4000, s31;
	s1 =	sadd.s32 s1, s30  }
0x32: {  	s0 =	sor.u32 s3, s0;
	s1 =	sshll.u32 s1, $0x11  }
0x33: {  	s0 =	sor.u32 s1, s0  }
0x34: {  	s0 =	sadd.s32 $0x8F2B, s0  }
0x35: {  	[sflag:s0] =	ssyncadd.remote.s32 $0x1  }
0x36: {  	_ =	sfence.sel $0xFFFF  }
0x37: {  	[dreg:$0x0] =	wrdreg $0xFFFFFFFF;
	(pc) =	sbr.abs _section_cstart, $3  }
0x38: {  	[dreg:$0x1] =	wrdreg $0xFFFFFFFF  }
0x39: {  	_ =	task.clear_ibuf [dreg:s7], $0x2FFFF;
	_ =	strace $0x9FFFFFFF  }
0x3a: {  	(tm) =	ssettm $0x7FFFFFFF  }
0x3b: {  	_ =	shalt  }
tec
execute0_lowered:
.L_overlay_start_1:
0x0: {  	(tag) =	ssettag $0x1  }
0x1: {  	s0 =	srdreg.scid;
	s7 =	rddreg [dreg:$0x0]  }
0x2: {  	s2 =	rddreg [dreg:$0x1];
	s8 =	simm.s32 $0x1;
	s1 =	sshll.u32 s0, $0x4  }
0x3: {  	s9 =	simm.s32 $0x2;
	s0 =	stileid.u32;
	s1 =	sand.u32 $0x10, s1  }
0x4: {  	s15 =	simm.s32 $0x0;
	s16 =	simm.s32 $0x0;
	s1 =	sor.u32 s0, s1  }
0x5: {  	s10 =	simm.s32 $0x0;
	s11 =	simm.s32 $0x0;
	s3 =	sshll.u32 s1, $0x1  }
0x6: {  	s12 =	simm.s32 $0x0;
	s14 =	simm.s32 $0x0;
	s6 =	ssub.s32 $0x180, s3  }
0x7: {  	s4 =	sadd.s32 $0x93A00, s7;
	s7 =	sadd.s32 $0x97A00, s7;
	s5 =	sand.u32 $0x3E, s6  }
.Ltmp0:
0x8: {  	s1 =	rddreg [dreg:$0x2];
	p0 =	sne.s32 s5, $0x0;
	(pc) =	sbr.rel .LBB1_1-.Ltmp0, $4  }
0x9: {  	_ =	strace $0x8000004A;
	s6 =	sshrl.u32 s6, $0x6;
	s8 =	simm.s32 @!p0 $0x0  }
0xa: {  	s13 =	smov.u32 s3;
	s5 =	simm.s32 $0x1;
	s6 =	sadd.s32 s8, s6  }
0xb: {  	[sflag:s5] =	ssyncpa.u1 $0x0;
	p0 =	por $0x0, $0x0;
	s6 =	sshll.u32 s6, $0x3  }
0xc: {  	[sflag:s9] =	ssyncpa.u1 $0x0;
	s9 =	simm.s32 $0x60000;
	s8 =	sor.u32 $0x1, s6  }
.LBB1_7:
0xd: {  	p1 =	slt.u32 s14, $0x2  }
0xe: {  	s18 =	smov.u32 s16;
	p2 =	sgt.s32 @!p1 s16, $0x17E;
	s17 =	sshra.s32 @!p1 s16, $0x1F  }
0xf: {  	p3 =	sgt.s32 @!p1 s15, $0x380;
	s19 =	sshra.s32 @!p1 s15, $0x1F;
	p2 =	por !p2, p1  }
0x10: {  	s16 =	sand.u32 @!p1 s17, s16;
	p3 =	por !p3, p1;
	s17 =	smov.u32 s15  }
0x11: {  	s15 =	sand.u32 @!p1 s19, s15;
	s18 =	simm.s32 @p2 $0x17E;
	s17 =	simm.s32 @p3 $0x380  }
0x12: {  	s19 =	smov.u32 s13;
	s16 =	ssub.s32 @!p1 s18, s16;
	s15 =	ssub.s32 @!p1 s17, s15  }
0x13: {  	s17 =	sadd.s32 @!p1 $0xFFFFFE82, s16;
	s16 =	ssub.s32 @!p1 $0x180, s16;
	s18 =	sadd.s32 @!p1 $0xFFFFFC80, s15  }
0x14: {  	p2 =	sgt.s32 @!p1 s17, $0x1;
	s16 =	smul.u32 @!p1 $0x32, s16;
	p3 =	sgt.s32 @!p1 s18, $0x7F  }
0x15: {  	s15 =	ssub.s32 @!p1 $0x400, s15;
	p2 =	por !p2, p1;
	p3 =	por !p3, p1  }
0x16: {  	s17 =	sadd.s32 $0x80, s12;
	s16 =	simm.s32 @!p2 $0x0;
	s15 =	simm.s32 @!p3 $0x0  }
0x17: {  	p2 =	sgt.s32 s17, $0x3FF;
	s15 =	smul.u32 @!p1 s15, s16;
	s16 =	sadd.s32 $0x40, s13  }
0x18: {  	s19 =	smov.u32 @p2 s16  }
0x19: {  	s17 =	simm.s32 @p2 $0x0;
	p2 =	sgt.s32 s19, $0x17F  }
0x1a: {  	s19 =	smov.u32 @p2 s3;
	p2 =	sne.s32 s14, s8  }
.Ltmp1:
0x1b: {  	p0 =	por !p0, !p0;
	s18 =	simm.s32 @!p1 $0x2;
	(pc) =	sbr.rel @!p2 .LBB1_8-.Ltmp1, $4  }
0x1c: {  	s16 =	smov.u32 s11;
	s11 =	smov.u32 s13;
	s15 =	sand.u32 @!p1 $0x3FFFFFFE, s15  }
0x1d: {  	_ =	swait.ge @!p1 [sflag:s18], s15;
	s20 =	ssub.s32 @!p1 $0x0, s15;
	s15 =	smov.u32 s10  }
0x1e: {  	s14 =	sadd.s32 $0x1, s14;
	s10 =	smov.u32 s12;
	[sflag:s18] =	ssyncset.done @!p1 $0x0  }
0x1f: {  	s12 =	smov.u32 s17;
	s13 =	smov.u32 s19;
	[sflag:s18] =	ssyncadd.s32 @!p1 s20  }
.LBB1_1:
0x20: {  	p1 =	sge.u32 s14, s6  }
0x21: {  	s17 =	sxor.u32 @!p1 $0xFFFFFFFF, s14;
	s18 =	sshll.u32 @!p1 s13, $0xE  }
0x22: {  	s19 =	sshll.u32 @!p1 s12, $0x4;
	s21 =	simm.s32 @!p1 $0x40;
	s22 =	simm.s32 @!p1 $0x80  }
0x23: {  	s17 =	sshll.u32 @!p1 s17, $0xE;
	s19 =	sand.u32 @!p1 $0x3FF0, s19;
	s20 =	sadd.s32 @!p1 s4, s18  }
0x24: {  	s18 =	sadd.s32 @!p1 s18, s7;
	s17 =	sand.u32 @!p1 $0x4000, s17;
	s20 =	sadd.s32 @!p1 s19, s20  }
0x25: {  	[tilespmem:s17], [sflag:$0x1] =	stream.strided.gather @!p1 [hbm4b:s20+s21], $0x2000, s22, s21, $0x38;
	[tilespmem:$0x10100] =	vst v63  }
0x26: {  	s31 =	sadd.s32 $0xFFFFFFFF, s14;
	s18 =	sadd.s32 @!p1 s19, s18;
	s17 =	sor.u32 @!p1 $0x2000, s17  }
0x27: {  	[tilespmem:s17], [sflag:$0x1] =	stream.strided.gather @!p1 [hbm4b:s18+s21], $0x2000, s22, s21, $0x38;
	[tilespmem:$0x10100] =	vst v63  }
0x28: {  	p1 =	sge.u32 s31, s6  }
.Ltmp2:
0x29: {  	_ = 	snop;
	(pc) =	sbr.rel @p1 .LBB1_7-.Ltmp2, $1  }
0x2a: {  	_ =	sdelay $0x3  }
0x2b: {  	s17 =	simm.s32 $0x1;
	s19 =	sand.u32 $0x1, s14  }
0x2c: {  	_ =	swait.ge [sflag:s5], $0x4000;
	s17 =	simm.s32 @!p0 $0x0;
	s19 =	smul.u32 $0x10200, s19  }
0x2d: {  	p2 =	por $0x1, $0x1;
	[sflag:s5] =	ssyncset.done $0x0;
	s18 =	smul.u32 $0x10200, s17  }
0x2e: {  	s20 =	sshll.u32 s17, $0x10;
	[sflag:s5] =	ssyncadd.s32 $0xFFFFC000;
	s30 =	sshrl.u32 s19, $0x2  }
0x2f: {  	s31 =	sshrl.u32 s20, $0x2;
	s20 =	simm.s32 $0x0;
	s18 =	sshrl.u32 s18, $0x2  }
0x30: {  	s17 =	sor.u32 $0x8000, s30;
	s19 =	sadd.s32 $0x20, s31;
	s18 =	sor.u32 $0x8000, s18  }
.LBB1_3:
0x31: {  	s21 =	sshll.u32 s20, $0xD  }
0x32: {  	s21 =	sand.u32 $0x3FFFE000, s21  }
0x33: {  	s23 =	sadd.s32 s21, s19  }
0x34: {  	s31 =	smul.u32 $0x204, s20;
	v3 =	vld [tilespmem:s23+$0x10]  }
0x35: {  	v1 =	vld [tilespmem:s23+$0xFFFFFFF0]  }
0x36: {  	s20 =	sshra.s32 s31, $0x2;
	v0 =	vld [tilespmem:s23+$0x0]  }
0x37: {  	s20 =	sadd.s32 s20, s18;
	v2 =	vld [tilespmem:s23+$0xFFFFFFE0]  }
0x38: {  	s21 =	sadd.s32 $0x0, s20  }
0x39: {  	p1 =	por p2, p2;
	s22 =	simm.s32 $0x4;
	s23 =	sadd.s32 $0x40, s23;
	[tilespmem:s21+$0x3060 ss:$0x102] =	vst.msk $0xffff, v3  }
.LBB1_4:
0x3a: {  	v3 =	vld [tilespmem:s23+$0x10];
	p2 =	sne.s32 s22, $0x1FC;
	[tilespmem:s21+$0x1020 ss:$0x102] =	vst.msk $0xffff, v1;
	s24 =	smov.u32 s22;
	s22 =	sadd.s32 $0x4, s22  }
.Ltmp3:
0x3b: {  	v1 =	vld [tilespmem:s23+$0xFFFFFFF0];
	[tilespmem:s21+$0x2040 ss:$0x102] =	vst.msk $0xffff, v0;
	(pc) =	sbr.rel @p2 .LBB1_4-.Ltmp3, $4  }
0x3c: {  	v0 =	vld [tilespmem:s23+$0x0];
	[tilespmem:s21+$0x0 ss:$0x102] =	vst.msk $0xffff, v2  }
0x3d: {  	s21 =	sshra.s32 s24, $0x2;
	v2 =	vld [tilespmem:s23+$0xFFFFFFE0]  }
0x3e: {  	s21 =	sadd.s32 s21, s20  }
0x3f: {  	s23 =	sadd.s32 $0x40, s23;
	[tilespmem:s21+$0x3060 ss:$0x102] =	vst.msk $0xffff, v3  }
.Ltmp4:
0x40: {  	(pc) =	sbr.rel @p1 .LBB1_3-.Ltmp4, $4  }
0x41: {  	_ = 	snop  }
0x42: {  	[tilespmem:s21+$0x1020 ss:$0x102] =	vst.msk $0xffff, v1  }
0x43: {  	[tilespmem:s21+$0x2040 ss:$0x102] =	vst.msk $0xffff, v0  }
0x44: {  	s20 =	simm.s32 $0x1;
	p2 =	por $0x0, $0x0;
	[tilespmem:s21+$0x0 ss:$0x102] =	vst.msk $0xffff, v2  }
0x45: {  	s18 =	sshll.u32 s11, $0xA  }
0x46: {  	s19 =	sshll.u32 s10, $0x3;
	s20 =	sshll.u32 s11, $0x7;
	s21 =	sand.u32 $0x78, s10  }
0x47: {  	p1 =	sgt.s32 s11, $0x17E;
	s22 =	sshra.s32 s11, $0x1F;
	s23 =	smov.u32 s10  }
0x48: {  	s24 =	sshra.s32 s10, $0x1F;
	s30 =	sand.u32 $0x7, s10;
	s18 =	sand.u32 $0xFFFFE000, s18  }
0x49: {  	s25 =	sand.u32 $0x380, s20;
	s20 =	smov.u32 s11;
	s22 =	sand.u32 s22, s11  }
0x4a: {  	s27 =	sand.u32 s24, s10;
	s18 =	sadd.s32 s18, s19;
	s19 =	sor.u32 s21, s25  }
0x4b: {  	s20 =	simm.s32 @!p1 $0x17E;
	p1 =	sgt.s32 s10, $0x380;
	s18 =	sshrl.u32 s18, $0xA  }
0x4c: {  	s20 =	ssub.s32 s20, s22;
	s23 =	simm.s32 @!p1 $0x380;
	s26 =	smulhi.u32 $0xAAAAAB, s18  }
0x4d: {  	s28 =	ssub.s32 $0x180, s20;
	s22 =	ssub.s32 s23, s27;
	s20 =	sadd.s32 $0xFFFFFE82, s20  }
0x4e: {  	s23 =	smul.u32 $0x32, s28;
	s29 =	sadd.s32 $0xFFFFFC80, s22;
	p1 =	sgt.s32 s20, $0x1  }
0x4f: {  	s20 =	ssub.s32 $0x400, s22;
	s21 =	smul.u32 $0x180, s26;
	p2 =	sgt.s32 s29, $0x7F  }
.Ltmp5:
0x50: {  	s23 =	simm.s32 @p1 $0x0;
	s20 =	simm.s32 @p2 $0x0;
	(pc) =	sbr.rel .LBB1_7-.Ltmp5, $4  }
0x51: {  	s19 =	sshrl.u32 s19, $0x3;
	s18 =	ssub.s32 s18, s21;
	s20 =	smul.u32 s20, s23  }
0x52: {  	s19 =	sadd.s32 s2, s19;
	s21 =	sshll.u32 s30, $0x12;
	s18 =	sshll.u32 s18, $0x7  }
0x53: {  	s31 =	sor.u32 $0x100, s21;
	s20 =	sand.u32 $0x3FFFFFFE, s20;
	s18 =	sadd.s32 s18, s19  }
0x54: {  	[hbm4b:s18+s31] =	stream.strided.scatter [tilespmem:s17], [sflag:$0x2], s20, s9, s31, $0x20;
	[tilespmem:$0x10100] =	vst v63  }
.LBB1_8:
0x55: {  	_ =	sfence.sel $0x180000  }
0x56: {  	s2 =	simm.s32 $0x1;
	[bflag:$0x0] =	sbarrier.arrive $0xFFFF  }
0x57: {  	s31 =	simm.s32 $0x2;
	[sflag:s2] =	ssyncpa.u1 $0x1  }
0x58: {  	[sflag:s31] =	ssyncpa.u1 $0x1  }
0x59: {  	p0 =	sne.s32 s0, $0x0;
	_ =	strace $0x9000004A  }
0x5a: {  	s0 =	sadd.s32 @!p0 $0x100000, s1;
	[bflag:$0x2] =	sbarrier.arrive $0xFFFF  }
0x5b: {  	[sflag:s0] =	ssyncadd.tile.s32 @!p0 $0x1;
	_ =	shalt  }
.Lfunc_end1:
_tile_overlayer_lowered:
.L_overlay_start_2:
0x5c: {  	(tag) =	ssettag $0x2  }
0x5d: {  	s0 =	rddreg [dreg:$0x0];
	s2 =	stileid.u32  }
0x5e: {  	s1 =	rddreg [dreg:$0x1];
	p0 =	sne.s32 s2, $0x0  }
0x5f: {  	s3 =	rddreg [dreg:$0x2];
	[bflag:$0x3] =	sbarrier.arrive $0xFFFF;
	s2 =	simm.s32 @!p0 $0x1C01  }
0x60: {  	[timem:s3], [sflag:s2] =	dma.local @!p0 [hbm:s0], s1  }
0x61: {  	s0 =	simm.s32 @!p0 $0x1  }
0x62: {  	_ =	swait.ge @!p0 [sflag:s0], s1  }
0x63: {  	s1 =	ssub.s32 @!p0 $0x0, s1;
	[sflag:s0] =	ssyncset.done @!p0 $0x0  }
0x64: {  	[sflag:s0] =	ssyncadd.s32 @!p0 s1  }
0x65: {  	[bflag:$0x3] =	sbarrier.arrive $0xFFFF  }
0x66: {  	_ =	shalt  }

</sc_bundles>
